<compile_context>
chip_gen: v7x
topology: tpu7x:2x2x1
jax: 0.10.2.dev20260603
libtpu: 0.0.44.dev20260713+nightly
codegen_flags: <defaults>
</compile_context>

<pallas_src>
import functools

import jax
import jax.numpy as jnp
from jax import lax
from jax.experimental import pallas as pl
from jax.experimental.pallas import tpu as pltpu
from jax.experimental.pallas import tpu_sc as plsc

N = 8192
EMB = 128
NUM_CHARS = 128
A = 4096
P = 64
B = 8
BR = 1024
NBLK = N // BR

NWORK = 32
CHUNK = N // NWORK

LOG2E = 1.4426950408889634
LN2 = 0.6931471805599453

_SC_MESH = plsc.VectorSubcoreMesh(core_axis_name="c", subcore_axis_name="s")


def _sc_hist_body(ids_hbm, eids_hbm, counts_hbm, ecnt_hbm,
                  ids_v, cnt_v, eids_v, ecnt_v):
    c = lax.axis_index("c")
    s = lax.axis_index("s")
    wid = s * 2 + c
    base = wid * CHUNK

    pltpu.sync_copy(ids_hbm.at[:, pl.ds(base, CHUNK)], ids_v)

    zeros16 = jnp.zeros((16,), jnp.float32)
    ones16 = jnp.ones((16,), jnp.float32)
    iota16 = jax.lax.broadcasted_iota(jnp.int32, (16,), 0)

    def zbody(i, carry):
        for u in range(8):
            cnt_v[i, pl.ds(u * 16, 16)] = zeros16
        return carry

    lax.fori_loop(0, CHUNK, zbody, 0)

    def sbody(g, carry):
        rows = iota16 + g * 16
        for k in range(P):
            idx = ids_v[k, pl.ds(g * 16, 16)]
            plsc.addupdate_scatter(cnt_v, [rows, idx], ones16)
        return carry

    lax.fori_loop(0, CHUNK // 16, sbody, 0)

    pltpu.sync_copy(cnt_v, counts_hbm.at[pl.ds(base, CHUNK), :])

    @pl.when(jnp.logical_and(c == 0, s == 0))
    def _():
        pltpu.sync_copy(eids_hbm, eids_v)
        for i in range(NUM_CHARS // 16):
            ecnt_v[pl.ds(i * 16, 16)] = zeros16
        for q in range(4):
            eidx = eids_v[pl.ds(q * 16, 16)]
            plsc.addupdate_scatter(ecnt_v, [eidx], ones16)
        pltpu.sync_copy(ecnt_v, ecnt_hbm)


_sc_hist = functools.partial(
    pl.kernel,
    out_type=(jax.ShapeDtypeStruct((N, NUM_CHARS), jnp.float32),
              jax.ShapeDtypeStruct((NUM_CHARS,), jnp.float32)),
    mesh=_SC_MESH,
    compiler_params=pltpu.CompilerParams(needs_layout_passes=False),
    scratch_types=[
        pltpu.VMEM((P, CHUNK), jnp.int32),
        pltpu.VMEM((CHUNK, NUM_CHARS), jnp.float32),
        pltpu.VMEM((P,), jnp.int32),
        pltpu.VMEM((NUM_CHARS,), jnp.float32),
    ],
)(_sc_hist_body)


def _fused_tc_kernel(cnt_ref, ecnt_ref, aid_ref, emb_ref, w_ref, b_ref,
                     r_ref, cu_ref, out_ref, rtg_ref, m_ref):
    i = pl.program_id(0)

    @pl.when(i == 0)
    def _():
        emb_bf = emb_ref[...].astype(jnp.bfloat16)
        w_bf = w_ref[...].astype(jnp.bfloat16)
        e_mat = jnp.dot(emb_bf, w_bf, preferred_element_type=jnp.float32)
        ec = jnp.dot(ecnt_ref[...].astype(jnp.bfloat16),
                     e_mat.astype(jnp.bfloat16),
                     preferred_element_type=jnp.float32)
        cvec = b_ref[...] - ec * (1.0 / P)
        m_ref[...] = ((e_mat + cvec) * (LOG2E / P)).astype(jnp.bfloat16)

        r = r_ref[...]
        rows, cols = r.shape
        io_r = jax.lax.broadcasted_iota(jnp.int32, (cols, cols), 0)
        io_c = jax.lax.broadcasted_iota(jnp.int32, (cols, cols), 1)
        triu = (io_r <= io_c).astype(jnp.float32)
        rowcs = jax.lax.dot(r, triu, precision=jax.lax.Precision.HIGHEST)
        rowsum = jnp.sum(r, axis=1, keepdims=True)
        jr = jax.lax.broadcasted_iota(jnp.int32, (rows, rows), 0)
        jc = jax.lax.broadcasted_iota(jnp.int32, (rows, rows), 1)
        tril_s = (jc < jr).astype(jnp.float32)
        pre = jax.lax.dot(tril_s, rowsum, precision=jax.lax.Precision.HIGHEST)
        cum = rowcs + pre

        lin = (jax.lax.broadcasted_iota(jnp.int32, (rows, cols), 0) * cols
               + jax.lax.broadcasted_iota(jnp.int32, (rows, cols), 1))
        upto = jnp.zeros((rows, cols), jnp.float32)
        for k in range(B):
            c0 = cu_ref[k]
            c1 = cu_ref[k + 1]
            ek = jnp.sum(jnp.where(lin < c1, r, 0.0))
            upto = jnp.where((lin >= c0) & (lin < c1), ek, upto)
        rtg_ref[...] = upto - cum + r

    t = jnp.dot(cnt_ref[...].astype(jnp.bfloat16), m_ref[...],
                preferred_element_type=jnp.float32)
    ssum = jnp.sum(jnp.exp2(t), axis=1, keepdims=True)
    aio = jax.lax.broadcasted_iota(jnp.int32, (BR, A), 1)
    sel_t = jnp.sum(jnp.where(aio == aid_ref[...], t, 0.0),
                    axis=1, keepdims=True)
    out_ref[...] = sel_t * LN2 - jnp.log(ssum)


def kernel(id_seqs, end_ids, action_ids, rewards, cu_seqlens, emb, W, b):
    ids_t = id_seqs.astype(jnp.int32).transpose(1, 2, 0).reshape(P, N)
    eids = end_ids.reshape(P).astype(jnp.int32)
    aid2 = action_ids.astype(jnp.int32).reshape(N, 1)
    b2 = b.reshape(1, A)
    r2 = rewards.reshape(N // 128, 128)
    cu = cu_seqlens.astype(jnp.int32)

    counts2, ecnt = _sc_hist(ids_t, eids)
    ecnt2 = ecnt.reshape(1, NUM_CHARS)

    logp, rtg = pl.pallas_call(
        _fused_tc_kernel,
        grid=(NBLK,),
        in_specs=[
            pl.BlockSpec((BR, NUM_CHARS), lambda i: (i, 0)),
            pl.BlockSpec((1, NUM_CHARS), lambda i: (0, 0)),
            pl.BlockSpec((BR, 1), lambda i: (i, 0)),
            pl.BlockSpec((EMB, EMB), lambda i: (0, 0)),
            pl.BlockSpec((EMB, A), lambda i: (0, 0)),
            pl.BlockSpec((1, A), lambda i: (0, 0)),
            pl.BlockSpec((N // 128, 128), lambda i: (0, 0)),
            pl.BlockSpec(memory_space=pltpu.SMEM),
        ],
        out_specs=[
            pl.BlockSpec((BR, 1), lambda i: (i, 0)),
            pl.BlockSpec((N // 128, 128), lambda i: (0, 0)),
        ],
        out_shape=[
            jax.ShapeDtypeStruct((N, 1), jnp.float32),
            jax.ShapeDtypeStruct((N // 128, 128), jnp.float32),
        ],
        scratch_shapes=[pltpu.VMEM((EMB, A), jnp.bfloat16)],
    )(counts2, ecnt2, aid2, emb, W, b2, r2, cu)

    return logp.reshape(N), rtg.reshape(N)

# --- scband reference (transcript-rebuilt; emitter-appended) ---
"""Pipeline reference for scband-vanilla-policy-gradient-84868553769535 (READ-ONLY COPY).

The authoritative reference and input builder live on the scoring server;
editing this copy changes nothing except your own understanding.
"""

import jax, jax.numpy as jnp
import numpy as np

NUM_CHARS = 128
EMB = 128
NUM_ACTIONS = 4096
N = 8192   # total environment steps (flattened ragged trajectories)
B = 8      # number of trajectories
NW = 8     # words per vocab state
WL = 8     # phonemes per word


def setup_inputs(seed: int = 0) -> dict:
    key = jax.random.key(seed)
    ks = jax.random.split(key, 8)
    id_seqs = jax.random.randint(ks[0], (N, NW, WL), 0, NUM_CHARS)
    end_ids = jax.random.randint(ks[1], (NW, WL), 0, NUM_CHARS)
    action_ids = jax.random.randint(ks[2], (N,), 0, NUM_ACTIONS)
    rewards = jax.random.normal(ks[3], (N,), dtype=jnp.float32)
    # ragged trajectory boundaries: strictly increasing, starts at 0, ends at N
    rng = np.random.default_rng(0)
    bps = np.sort(rng.choice(np.arange(1, N), size=B - 1, replace=False))
    cu_seqlens = jnp.asarray(np.concatenate([[0], bps, [N]]), dtype=jnp.int32)
    # learned parameters
    emb = jax.random.normal(ks[4], (NUM_CHARS, EMB), dtype=jnp.float32) * 0.02
    W = jax.random.normal(ks[5], (EMB, NUM_ACTIONS), dtype=jnp.float32) * 0.02
    b = jnp.zeros((NUM_ACTIONS,), dtype=jnp.float32)
    return {
        'id_seqs': id_seqs,
        'end_ids': end_ids,
        'action_ids': action_ids,
        'rewards': rewards,
        'cu_seqlens': cu_seqlens,
        'emb': emb,
        'W': W,
        'b': b,
    }


def _rewards_to_go(rewards, cu_seqlens):
    # faithful translation of _get_rewards_to_go using cu_seqlens = cumsum of traj lengths
    cum_lengths = cu_seqlens[1:]  # [B]
    n = rewards.shape[0]
    start_new = jnp.zeros((n,), dtype=jnp.int32).at[cum_lengths[:-1]].set(1)
    which_tr = jnp.cumsum(start_new)                # [N] trajectory id per step
    up_to_ids = cum_lengths[which_tr] - 1           # last index of each step's trajectory
    cum_rews = jnp.cumsum(rewards)                  # [N]
    up_to = cum_rews[up_to_ids]
    rtgs = up_to - cum_rews + rewards
    return rtgs


def reference(id_seqs, end_ids, action_ids, rewards, cu_seqlens, emb, W, b):
    # _get_word_embedding: embed chars then mean over phoneme positions
    word_repr = jnp.take(emb, id_seqs, axis=0).mean(axis=2)      # [N, NW, EMB]
    end_word_repr = jnp.take(emb, end_ids, axis=0).mean(axis=1)  # [NW, EMB]
    # _get_state_repr: difference to end state, mean over words
    state_repr = (word_repr - end_word_repr[None, :, :]).mean(axis=1)  # [N, EMB]
    # action_predictor (Linear) -> Categorical log-probs of taken actions
    action_logits = state_repr @ W + b                            # [N, A]
    logp_all = jax.nn.log_softmax(action_logits, axis=-1)
    log_probs = jnp.take_along_axis(logp_all, action_ids[:, None], axis=1)[:, 0]  # [N]
    rtgs = _rewards_to_go(rewards, cu_seqlens)                    # [N]
    return log_probs, rtgs

if __name__ == "__main__":
    import jax
    _d = setup_inputs()
    print(jax.jit(kernel)(*tuple(_d.values())))

</pallas_src>

<mosaic_0001>
#map = affine_map<(d0, d1) -> (0, 0)>
#map1 = affine_map<(d0, d1) -> (0)>
module attributes {stable_mosaic.version = 14 : i64} {
  func.func @_sc_hist_body(%arg0: i32, %arg1: i32, %arg2: memref<64x8192xi32, #tpu.memory_space<hbm>>, %arg3: memref<64xi32, #tpu.memory_space<hbm>>, %arg4: memref<8192x128xf32, #tpu.memory_space<hbm>>, %arg5: memref<128xf32, #tpu.memory_space<hbm>>, %arg6: memref<64x256xi32, #tpu.memory_space<vmem>>, %arg7: memref<256x128xf32, #tpu.memory_space<vmem>>, %arg8: memref<64xi32, #tpu.memory_space<vmem>>, %arg9: memref<128xf32, #tpu.memory_space<vmem>>) attributes {dimension_semantics = [#tpu.dimension_semantics<core_parallel>, #tpu.dimension_semantics<subcore_parallel>], iteration_bounds = array<i64: 2, 16>, scalar_prefetch = 0 : i64, scratch_operands = 4 : i64, tpu.core_type = #tpu.core_type<sc_vector_subcore>, window_params = [{transform_indices = #map}, {transform_indices = #map1}, {transform_indices = #map}, {transform_indices = #map1}]} {
    %mul3A = arith.constant 2 : i32
    %mul3A_0 = arith.muli %arg1, %mul3A : i32
    %add3A = arith.addi %mul3A_0, %arg0 : i32
    %mul3A_1 = arith.constant 256 : i32
    %mul3A_2 = arith.muli %add3A, %mul3A_1 : i32
    "tpu.region"() ({
      %run_scoped3A = tpu.sem_alloc : memref<!tpu.dma_semaphore, #tpu.memory_space<semaphore_mem>>
      %dma_start3A = arith.constant 0 : i32
      %dma_start3A_21 = tpu.memref_slice %arg2[%dma_start3A, %mul3A_2] : memref<64x8192xi32, #tpu.memory_space<hbm>> -> memref<64x256xi32, #tpu.memory_space<hbm>>
      %dma_start3A_22 = arith.constant 0 : i32
      %dma_start3A_23 = tpu.memref_slice %arg2[%dma_start3A_22, %mul3A_2] : memref<64x8192xi32, #tpu.memory_space<hbm>> -> memref<64x256xi32, #tpu.memory_space<hbm>>
      tpu.enqueue_dma source(%dma_start3A_23 : memref<64x256xi32, #tpu.memory_space<hbm>>) target(%arg6 : memref<64x256xi32, #tpu.memory_space<vmem>>) target_semaphore(%run_scoped3A : memref<!tpu.dma_semaphore, #tpu.memory_space<semaphore_mem>>)
      %dma_wait3A = arith.constant 0 : i32
      %dma_wait3A_24 = tpu.memref_slice %arg2[%dma_wait3A, %mul3A_2] : memref<64x8192xi32, #tpu.memory_space<hbm>> -> memref<64x256xi32, #tpu.memory_space<hbm>>
      %dma_wait3A_25 = arith.constant 0 : i32
      %dma_wait3A_26 = tpu.memref_slice %arg2[%dma_wait3A_25, %mul3A_2] : memref<64x8192xi32, #tpu.memory_space<hbm>> -> memref<64x256xi32, #tpu.memory_space<hbm>>
      tpu.wait_dma2 semaphore(%run_scoped3A : memref<!tpu.dma_semaphore, #tpu.memory_space<semaphore_mem>>) src(%dma_wait3A_26 : memref<64x256xi32, #tpu.memory_space<hbm>>) dst(%arg6 : memref<64x256xi32, #tpu.memory_space<vmem>>)
      tpu.yield
    }) : () -> ()
    %broadcast_in_dim3A = arith.constant 0.000000e+00 : f32
    %broadcast_in_dim3A_3 = vector.broadcast %broadcast_in_dim3A : f32 to vector<16xf32>
    %broadcast_in_dim3A_4 = arith.constant 1.000000e+00 : f32
    %broadcast_in_dim3A_5 = vector.broadcast %broadcast_in_dim3A_4 : f32 to vector<16xf32>
    %iota3A = tpu.iota {dimensions = array<i32: 0>} : vector<16xi32>
    %scan3A = arith.constant 0 : i32
    %scan3A_6 = arith.constant 0 : i32
    %scan3A_7 = arith.constant 256 : i32
    %scan3A_8 = arith.addi %scan3A_6, %scan3A_7 : i32
    %scan3A_9 = arith.constant 1 : i32
    scf.for %scan3A_21 = %scan3A_6 to %scan3A_8 step %scan3A_9  : i32 {
      %swap3A = arith.index_cast %scan3A_21 : i32 to index
      %swap3A_22 = arith.constant 0 : index
      %swap3A_23 = tpu.vector_load %arg7[%swap3A, %swap3A_22] {strides = array<i32>} : memref<256x128xf32, #tpu.memory_space<vmem>>, vector<16xf32>,
      tpu.vector_store %arg7[%swap3A, %swap3A_22], %broadcast_in_dim3A_3 {strides = array<i32>} : memref<256x128xf32, #tpu.memory_space<vmem>>, vector<16xf32>,
      %swap3A_24 = arith.index_cast %scan3A_21 : i32 to index
      %swap3A_25 = arith.constant 16 : index
      %swap3A_26 = tpu.vector_load %arg7[%swap3A_24, %swap3A_25] {strides = array<i32>} : memref<256x128xf32, #tpu.memory_space<vmem>>, vector<16xf32>,
      tpu.vector_store %arg7[%swap3A_24, %swap3A_25], %broadcast_in_dim3A_3 {strides = array<i32>} : memref<256x128xf32, #tpu.memory_space<vmem>>, vector<16xf32>,
      %swap3A_27 = arith.index_cast %scan3A_21 : i32 to index
      %swap3A_28 = arith.constant 32 : index
      %swap3A_29 = tpu.vector_load %arg7[%swap3A_27, %swap3A_28] {strides = array<i32>} : memref<256x128xf32, #tpu.memory_space<vmem>>, vector<16xf32>,
      tpu.vector_store %arg7[%swap3A_27, %swap3A_28], %broadcast_in_dim3A_3 {strides = array<i32>} : memref<256x128xf32, #tpu.memory_space<vmem>>, vector<16xf32>,
      %swap3A_30 = arith.index_cast %scan3A_21 : i32 to index
      %swap3A_31 = arith.constant 48 : index
      %swap3A_32 = tpu.vector_load %arg7[%swap3A_30, %swap3A_31] {strides = array<i32>} : memref<256x128xf32, #tpu.memory_space<vmem>>, vector<16xf32>,
      tpu.vector_store %arg7[%swap3A_30, %swap3A_31], %broadcast_in_dim3A_3 {strides = array<i32>} : memref<256x128xf32, #tpu.memory_space<vmem>>, vector<16xf32>,
      %swap3A_33 = arith.index_cast %scan3A_21 : i32 to index
      %swap3A_34 = arith.constant 64 : index
      %swap3A_35 = tpu.vector_load %arg7[%swap3A_33, %swap3A_34] {strides = array<i32>} : memref<256x128xf32, #tpu.memory_space<vmem>>, vector<16xf32>,
      tpu.vector_store %arg7[%swap3A_33, %swap3A_34], %broadcast_in_dim3A_3 {strides = array<i32>} : memref<256x128xf32, #tpu.memory_space<vmem>>, vector<16xf32>,
      %swap3A_36 = arith.index_cast %scan3A_21 : i32 to index
      %swap3A_37 = arith.constant 80 : index
      %swap3A_38 = tpu.vector_load %arg7[%swap3A_36, %swap3A_37] {strides = array<i32>} : memref<256x128xf32, #tpu.memory_space<vmem>>, vector<16xf32>,
      tpu.vector_store %arg7[%swap3A_36, %swap3A_37], %broadcast_in_dim3A_3 {strides = array<i32>} : memref<256x128xf32, #tpu.memory_space<vmem>>, vector<16xf32>,
      %swap3A_39 = arith.index_cast %scan3A_21 : i32 to index
      %swap3A_40 = arith.constant 96 : index
      %swap3A_41 = tpu.vector_load %arg7[%swap3A_39, %swap3A_40] {strides = array<i32>} : memref<256x128xf32, #tpu.memory_space<vmem>>, vector<16xf32>,
      tpu.vector_store %arg7[%swap3A_39, %swap3A_40], %broadcast_in_dim3A_3 {strides = array<i32>} : memref<256x128xf32, #tpu.memory_space<vmem>>, vector<16xf32>,
      %swap3A_42 = arith.index_cast %scan3A_21 : i32 to index
      %swap3A_43 = arith.constant 112 : index
      %swap3A_44 = tpu.vector_load %arg7[%swap3A_42, %swap3A_43] {strides = array<i32>} : memref<256x128xf32, #tpu.memory_space<vmem>>, vector<16xf32>,
      tpu.vector_store %arg7[%swap3A_42, %swap3A_43], %broadcast_in_dim3A_3 {strides = array<i32>} : memref<256x128xf32, #tpu.memory_space<vmem>>, vector<16xf32>,
    }
    %scan3A_10 = arith.constant 256 : i32
    %scan3A_11 = arith.constant 0 : i32
    %scan3A_12 = arith.constant 0 : i32
    %scan3A_13 = arith.constant 16 : i32
    %scan3A_14 = arith.addi %scan3A_12, %scan3A_13 : i32
    %scan3A_15 = arith.constant 1 : i32
    scf.for %scan3A_21 = %scan3A_12 to %scan3A_14 step %scan3A_15  : i32 {
      %mul3A_22 = arith.constant 16 : i32
      %mul3A_23 = arith.muli %scan3A_21, %mul3A_22 : i32
      %add3A_24 = vector.broadcast %mul3A_23 : i32 to vector<16xi32>
      %add3A_25 = arith.addi %iota3A, %add3A_24 : vector<16xi32>
      %mul3A_26 = arith.constant 16 : i32
      %mul3A_27 = arith.muli %scan3A_21, %mul3A_26 : i32
      %get3A = arith.constant 0 : i32
      %get3A_28 = arith.index_cast %get3A : i32 to index
      %get3A_29 = arith.index_cast %mul3A_27 : i32 to index
      %get3A_30 = tpu.vector_load %arg6[%get3A_28, %get3A_29] {strides = array<i32>} : memref<64x256xi32, #tpu.memory_space<vmem>>, vector<16xi32>,
      tpu.vector_store_idx %arg7[%add3A_25, %get3A_30], %broadcast_in_dim3A_5 {add = true} : memref<256x128xf32, #tpu.memory_space<vmem>>[vector<16xi32>, vector<16xi32>], vector<16xf32>,
      %mul3A_31 = arith.constant 16 : i32
      %mul3A_32 = arith.muli %scan3A_21, %mul3A_31 : i32
      %get3A_33 = arith.constant 1 : i32
      %get3A_34 = arith.index_cast %get3A_33 : i32 to index
      %get3A_35 = arith.index_cast %mul3A_32 : i32 to index
      %get3A_36 = tpu.vector_load %arg6[%get3A_34, %get3A_35] {strides = array<i32>} : memref<64x256xi32, #tpu.memory_space<vmem>>, vector<16xi32>,
      tpu.vector_store_idx %arg7[%add3A_25, %get3A_36], %broadcast_in_dim3A_5 {add = true} : memref<256x128xf32, #tpu.memory_space<vmem>>[vector<16xi32>, vector<16xi32>], vector<16xf32>,
      %mul3A_37 = arith.constant 16 : i32
      %mul3A_38 = arith.muli %scan3A_21, %mul3A_37 : i32
      %get3A_39 = arith.constant 2 : i32
      %get3A_40 = arith.index_cast %get3A_39 : i32 to index
      %get3A_41 = arith.index_cast %mul3A_38 : i32 to index
      %get3A_42 = tpu.vector_load %arg6[%get3A_40, %get3A_41] {strides = array<i32>} : memref<64x256xi32, #tpu.memory_space<vmem>>, vector<16xi32>,
      tpu.vector_store_idx %arg7[%add3A_25, %get3A_42], %broadcast_in_dim3A_5 {add = true} : memref<256x128xf32, #tpu.memory_space<vmem>>[vector<16xi32>, vector<16xi32>], vector<16xf32>,
      %mul3A_43 = arith.constant 16 : i32
      %mul3A_44 = arith.muli %scan3A_21, %mul3A_43 : i32
      %get3A_45 = arith.constant 3 : i32
      %get3A_46 = arith.index_cast %get3A_45 : i32 to index
      %get3A_47 = arith.index_cast %mul3A_44 : i32 to index
      %get3A_48 = tpu.vector_load %arg6[%get3A_46, %get3A_47] {strides = array<i32>} : memref<64x256xi32, #tpu.memory_space<vmem>>, vector<16xi32>,
      tpu.vector_store_idx %arg7[%add3A_25, %get3A_48], %broadcast_in_dim3A_5 {add = true} : memref<256x128xf32, #tpu.memory_space<vmem>>[vector<16xi32>, vector<16xi32>], vector<16xf32>,
      %mul3A_49 = arith.constant 16 : i32
      %mul3A_50 = arith.muli %scan3A_21, %mul3A_49 : i32
      %get3A_51 = arith.constant 4 : i32
      %get3A_52 = arith.index_cast %get3A_51 : i32 to index
      %get3A_53 = arith.index_cast %mul3A_50 : i32 to index
      %get3A_54 = tpu.vector_load %arg6[%get3A_52, %get3A_53] {strides = array<i32>} : memref<64x256xi32, #tpu.memory_space<vmem>>, vector<16xi32>,
      tpu.vector_store_idx %arg7[%add3A_25, %get3A_54], %broadcast_in_dim3A_5 {add = true} : memref<256x128xf32, #tpu.memory_space<vmem>>[vector<16xi32>, vector<16xi32>], vector<16xf32>,
      %mul3A_55 = arith.constant 16 : i32
      %mul3A_56 = arith.muli %scan3A_21, %mul3A_55 : i32
      %get3A_57 = arith.constant 5 : i32
      %get3A_58 = arith.index_cast %get3A_57 : i32 to index
      %get3A_59 = arith.index_cast %mul3A_56 : i32 to index
      %get3A_60 = tpu.vector_load %arg6[%get3A_58, %get3A_59] {strides = array<i32>} : memref<64x256xi32, #tpu.memory_space<vmem>>, vector<16xi32>,
      tpu.vector_store_idx %arg7[%add3A_25, %get3A_60], %broadcast_in_dim3A_5 {add = true} : memref<256x128xf32, #tpu.memory_space<vmem>>[vector<16xi32>, vector<16xi32>], vector<16xf32>,
      %mul3A_61 = arith.constant 16 : i32
      %mul3A_62 = arith.muli %scan3A_21, %mul3A_61 : i32
      %get3A_63 = arith.constant 6 : i32
      %get3A_64 = arith.index_cast %get3A_63 : i32 to index
      %get3A_65 = arith.index_cast %mul3A_62 : i32 to index
      %get3A_66 = tpu.vector_load %arg6[%get3A_64, %get3A_65] {strides = array<i32>} : memref<64x256xi32, #tpu.memory_space<vmem>>, vector<16xi32>,
      tpu.vector_store_idx %arg7[%add3A_25, %get3A_66], %broadcast_in_dim3A_5 {add = true} : memref<256x128xf32, #tpu.memory_space<vmem>>[vector<16xi32>, vector<16xi32>], vector<16xf32>,
      %mul3A_67 = arith.constant 16 : i32
      %mul3A_68 = arith.muli %scan3A_21, %mul3A_67 : i32
      %get3A_69 = arith.constant 7 : i32
      %get3A_70 = arith.index_cast %get3A_69 : i32 to index
      %get3A_71 = arith.index_cast %mul3A_68 : i32 to index
      %get3A_72 = tpu.vector_load %arg6[%get3A_70, %get3A_71] {strides = array<i32>} : memref<64x256xi32, #tpu.memory_space<vmem>>, vector<16xi32>,
      tpu.vector_store_idx %arg7[%add3A_25, %get3A_72], %broadcast_in_dim3A_5 {add = true} : memref<256x128xf32, #tpu.memory_space<vmem>>[vector<16xi32>, vector<16xi32>], vector<16xf32>,
      %mul3A_73 = arith.constant 16 : i32
      %mul3A_74 = arith.muli %scan3A_21, %mul3A_73 : i32
      %get3A_75 = arith.constant 8 : i32
      %get3A_76 = arith.index_cast %get3A_75 : i32 to index
      %get3A_77 = arith.index_cast %mul3A_74 : i32 to index
      %get3A_78 = tpu.vector_load %arg6[%get3A_76, %get3A_77] {strides = array<i32>} : memref<64x256xi32, #tpu.memory_space<vmem>>, vector<16xi32>,
      tpu.vector_store_idx %arg7[%add3A_25, %get3A_78], %broadcast_in_dim3A_5 {add = true} : memref<256x128xf32, #tpu.memory_space<vmem>>[vector<16xi32>, vector<16xi32>], vector<16xf32>,
      %mul3A_79 = arith.constant 16 : i32
      %mul3A_80 = arith.muli %scan3A_21, %mul3A_79 : i32
      %get3A_81 = arith.constant 9 : i32
      %get3A_82 = arith.index_cast %get3A_81 : i32 to index
      %get3A_83 = arith.index_cast %mul3A_80 : i32 to index
      %get3A_84 = tpu.vector_load %arg6[%get3A_82, %get3A_83] {strides = array<i32>} : memref<64x256xi32, #tpu.memory_space<vmem>>, vector<16xi32>,
      tpu.vector_store_idx %arg7[%add3A_25, %get3A_84], %broadcast_in_dim3A_5 {add = true} : memref<256x128xf32, #tpu.memory_space<vmem>>[vector<16xi32>, vector<16xi32>], vector<16xf32>,
      %mul3A_85 = arith.constant 16 : i32
      %mul3A_86 = arith.muli %scan3A_21, %mul3A_85 : i32
      %get3A_87 = arith.constant 10 : i32
      %get3A_88 = arith.index_cast %get3A_87 : i32 to index
      %get3A_89 = arith.index_cast %mul3A_86 : i32 to index
      %get3A_90 = tpu.vector_load %arg6[%get3A_88, %get3A_89] {strides = array<i32>} : memref<64x256xi32, #tpu.memory_space<vmem>>, vector<16xi32>,
      tpu.vector_store_idx %arg7[%add3A_25, %get3A_90], %broadcast_in_dim3A_5 {add = true} : memref<256x128xf32, #tpu.memory_space<vmem>>[vector<16xi32>, vector<16xi32>], vector<16xf32>,
      %mul3A_91 = arith.constant 16 : i32
      %mul3A_92 = arith.muli %scan3A_21, %mul3A_91 : i32
      %get3A_93 = arith.constant 11 : i32
      %get3A_94 = arith.index_cast %get3A_93 : i32 to index
      %get3A_95 = arith.index_cast %mul3A_92 : i32 to index
      %get3A_96 = tpu.vector_load %arg6[%get3A_94, %get3A_95] {strides = array<i32>} : memref<64x256xi32, #tpu.memory_space<vmem>>, vector<16xi32>,
      tpu.vector_store_idx %arg7[%add3A_25, %get3A_96], %broadcast_in_dim3A_5 {add = true} : memref<256x128xf32, #tpu.memory_space<vmem>>[vector<16xi32>, vector<16xi32>], vector<16xf32>,
      %mul3A_97 = arith.constant 16 : i32
      %mul3A_98 = arith.muli %scan3A_21, %mul3A_97 : i32
      %get3A_99 = arith.constant 12 : i32
      %get3A_100 = arith.index_cast %get3A_99 : i32 to index
      %get3A_101 = arith.index_cast %mul3A_98 : i32 to index
      %get3A_102 = tpu.vector_load %arg6[%get3A_100, %get3A_101] {strides = array<i32>} : memref<64x256xi32, #tpu.memory_space<vmem>>, vector<16xi32>,
      tpu.vector_store_idx %arg7[%add3A_25, %get3A_102], %broadcast_in_dim3A_5 {add = true} : memref<256x128xf32, #tpu.memory_space<vmem>>[vector<16xi32>, vector<16xi32>], vector<16xf32>,
      %mul3A_103 = arith.constant 16 : i32
      %mul3A_104 = arith.muli %scan3A_21, %mul3A_103 : i32
      %get3A_105 = arith.constant 13 : i32
      %get3A_106 = arith.index_cast %get3A_105 : i32 to index
      %get3A_107 = arith.index_cast %mul3A_104 : i32 to index
      %get3A_108 = tpu.vector_load %arg6[%get3A_106, %get3A_107] {strides = array<i32>} : memref<64x256xi32, #tpu.memory_space<vmem>>, vector<16xi32>,
      tpu.vector_store_idx %arg7[%add3A_25, %get3A_108], %broadcast_in_dim3A_5 {add = true} : memref<256x128xf32, #tpu.memory_space<vmem>>[vector<16xi32>, vector<16xi32>], vector<16xf32>,
      %mul3A_109 = arith.constant 16 : i32
      %mul3A_110 = arith.muli %scan3A_21, %mul3A_109 : i32
      %get3A_111 = arith.constant 14 : i32
      %get3A_112 = arith.index_cast %get3A_111 : i32 to index
      %get3A_113 = arith.index_cast %mul3A_110 : i32 to index
      %get3A_114 = tpu.vector_load %arg6[%get3A_112, %get3A_113] {strides = array<i32>} : memref<64x256xi32, #tpu.memory_space<vmem>>, vector<16xi32>,
      tpu.vector_store_idx %arg7[%add3A_25, %get3A_114], %broadcast_in_dim3A_5 {add = true} : memref<256x128xf32, #tpu.memory_space<vmem>>[vector<16xi32>, vector<16xi32>], vector<16xf32>,
      %mul3A_115 = arith.constant 16 : i32
      %mul3A_116 = arith.muli %scan3A_21, %mul3A_115 : i32
      %get3A_117 = arith.constant 15 : i32
      %get3A_118 = arith.index_cast %get3A_117 : i32 to index
      %get3A_119 = arith.index_cast %mul3A_116 : i32 to index
      %get3A_120 = tpu.vector_load %arg6[%get3A_118, %get3A_119] {strides = array<i32>} : memref<64x256xi32, #tpu.memory_space<vmem>>, vector<16xi32>,
      tpu.vector_store_idx %arg7[%add3A_25, %get3A_120], %broadcast_in_dim3A_5 {add = true} : memref<256x128xf32, #tpu.memory_space<vmem>>[vector<16xi32>, vector<16xi32>], vector<16xf32>,
      %mul3A_121 = arith.constant 16 : i32
      %mul3A_122 = arith.muli %scan3A_21, %mul3A_121 : i32
      %get3A_123 = arith.constant 16 : i32
      %get3A_124 = arith.index_cast %get3A_123 : i32 to index
      %get3A_125 = arith.index_cast %mul3A_122 : i32 to index
      %get3A_126 = tpu.vector_load %arg6[%get3A_124, %get3A_125] {strides = array<i32>} : memref<64x256xi32, #tpu.memory_space<vmem>>, vector<16xi32>,
      tpu.vector_store_idx %arg7[%add3A_25, %get3A_126], %broadcast_in_dim3A_5 {add = true} : memref<256x128xf32, #tpu.memory_space<vmem>>[vector<16xi32>, vector<16xi32>], vector<16xf32>,
      %mul3A_127 = arith.constant 16 : i32
      %mul3A_128 = arith.muli %scan3A_21, %mul3A_127 : i32
      %get3A_129 = arith.constant 17 : i32
      %get3A_130 = arith.index_cast %get3A_129 : i32 to index
      %get3A_131 = arith.index_cast %mul3A_128 : i32 to index
      %get3A_132 = tpu.vector_load %arg6[%get3A_130, %get3A_131] {strides = array<i32>} : memref<64x256xi32, #tpu.memory_space<vmem>>, vector<16xi32>,
      tpu.vector_store_idx %arg7[%add3A_25, %get3A_132], %broadcast_in_dim3A_5 {add = true} : memref<256x128xf32, #tpu.memory_space<vmem>>[vector<16xi32>, vector<16xi32>], vector<16xf32>,
      %mul3A_133 = arith.constant 16 : i32
      %mul3A_134 = arith.muli %scan3A_21, %mul3A_133 : i32
      %get3A_135 = arith.constant 18 : i32
      %get3A_136 = arith.index_cast %get3A_135 : i32 to index
      %get3A_137 = arith.index_cast %mul3A_134 : i32 to index
      %get3A_138 = tpu.vector_load %arg6[%get3A_136, %get3A_137] {strides = array<i32>} : memref<64x256xi32, #tpu.memory_space<vmem>>, vector<16xi32>,
      tpu.vector_store_idx %arg7[%add3A_25, %get3A_138], %broadcast_in_dim3A_5 {add = true} : memref<256x128xf32, #tpu.memory_space<vmem>>[vector<16xi32>, vector<16xi32>], vector<16xf32>,
      %mul3A_139 = arith.constant 16 : i32
      %mul3A_140 = arith.muli %scan3A_21, %mul3A_139 : i32
      %get3A_141 = arith.constant 19 : i32
      %get3A_142 = arith.index_cast %get3A_141 : i32 to index
      %get3A_143 = arith.index_cast %mul3A_140 : i32 to index
      %get3A_144 = tpu.vector_load %arg6[%get3A_142, %get3A_143] {strides = array<i32>} : memref<64x256xi32, #tpu.memory_space<vmem>>, vector<16xi32>,
      tpu.vector_store_idx %arg7[%add3A_25, %get3A_144], %broadcast_in_dim3A_5 {add = true} : memref<256x128xf32, #tpu.memory_space<vmem>>[vector<16xi32>, vector<16xi32>], vector<16xf32>,
      %mul3A_145 = arith.constant 16 : i32
      %mul3A_146 = arith.muli %scan3A_21, %mul3A_145 : i32
      %get3A_147 = arith.constant 20 : i32
      %get3A_148 = arith.index_cast %get3A_147 : i32 to index
      %get3A_149 = arith.index_cast %mul3A_146 : i32 to index
      %get3A_150 = tpu.vector_load %arg6[%get3A_148, %get3A_149] {strides = array<i32>} : memref<64x256xi32, #tpu.memory_space<vmem>>, vector<16xi32>,
      tpu.vector_store_idx %arg7[%add3A_25, %get3A_150], %broadcast_in_dim3A_5 {add = true} : memref<256x128xf32, #tpu.memory_space<vmem>>[vector<16xi32>, vector<16xi32>], vector<16xf32>,
      %mul3A_151 = arith.constant 16 : i32
      %mul3A_152 = arith.muli %scan3A_21, %mul3A_151 : i32
      %get3A_153 = arith.constant 21 : i32
      %get3A_154 = arith.index_cast %get3A_153 : i32 to index
      %get3A_155 = arith.index_cast %mul3A_152 : i32 to index
      %get3A_156 = tpu.vector_load %arg6[%get3A_154, %get3A_155] {strides = array<i32>} : memref<64x256xi32, #tpu.memory_space<vmem>>, vector<16xi32>,
      tpu.vector_store_idx %arg7[%add3A_25, %get3A_156], %broadcast_in_dim3A_5 {add = true} : memref<256x128xf32, #tpu.memory_space<vmem>>[vector<16xi32>, vector<16xi32>], vector<16xf32>,
      %mul3A_157 = arith.constant 16 : i32
      %mul3A_158 = arith.muli %scan3A_21, %mul3A_157 : i32
      %get3A_159 = arith.constant 22 : i32
      %get3A_160 = arith.index_cast %get3A_159 : i32 to index
      %get3A_161 = arith.index_cast %mul3A_158 : i32 to index
      %get3A_162 = tpu.vector_load %arg6[%get3A_160, %get3A_161] {strides = array<i32>} : memref<64x256xi32, #tpu.memory_space<vmem>>, vector<16xi32>,
      tpu.vector_store_idx %arg7[%add3A_25, %get3A_162], %broadcast_in_dim3A_5 {add = true} : memref<256x128xf32, #tpu.memory_space<vmem>>[vector<16xi32>, vector<16xi32>], vector<16xf32>,
      %mul3A_163 = arith.constant 16 : i32
      %mul3A_164 = arith.muli %scan3A_21, %mul3A_163 : i32
      %get3A_165 = arith.constant 23 : i32
      %get3A_166 = arith.index_cast %get3A_165 : i32 to index
      %get3A_167 = arith.index_cast %mul3A_164 : i32 to index
      %get3A_168 = tpu.vector_load %arg6[%get3A_166, %get3A_167] {strides = array<i32>} : memref<64x256xi32, #tpu.memory_space<vmem>>, vector<16xi32>,
      tpu.vector_store_idx %arg7[%add3A_25, %get3A_168], %broadcast_in_dim3A_5 {add = true} : memref<256x128xf32, #tpu.memory_space<vmem>>[vector<16xi32>, vector<16xi32>], vector<16xf32>,
      %mul3A_169 = arith.constant 16 : i32
      %mul3A_170 = arith.muli %scan3A_21, %mul3A_169 : i32
      %get3A_171 = arith.constant 24 : i32
      %get3A_172 = arith.index_cast %get3A_171 : i32 to index
      %get3A_173 = arith.index_cast %mul3A_170 : i32 to index
      %get3A_174 = tpu.vector_load %arg6[%get3A_172, %get3A_173] {strides = array<i32>} : memref<64x256xi32, #tpu.memory_space<vmem>>, vector<16xi32>,
      tpu.vector_store_idx %arg7[%add3A_25, %get3A_174], %broadcast_in_dim3A_5 {add = true} : memref<256x128xf32, #tpu.memory_space<vmem>>[vector<16xi32>, vector<16xi32>], vector<16xf32>,
      %mul3A_175 = arith.constant 16 : i32
      %mul3A_176 = arith.muli %scan3A_21, %mul3A_175 : i32
      %get3A_177 = arith.constant 25 : i32
      %get3A_178 = arith.index_cast %get3A_177 : i32 to index
      %get3A_179 = arith.index_cast %mul3A_176 : i32 to index
      %get3A_180 = tpu.vector_load %arg6[%get3A_178, %get3A_179] {strides = array<i32>} : memref<64x256xi32, #tpu.memory_space<vmem>>, vector<16xi32>,
      tpu.vector_store_idx %arg7[%add3A_25, %get3A_180], %broadcast_in_dim3A_5 {add = true} : memref<256x128xf32, #tpu.memory_space<vmem>>[vector<16xi32>, vector<16xi32>], vector<16xf32>,
      %mul3A_181 = arith.constant 16 : i32
      %mul3A_182 = arith.muli %scan3A_21, %mul3A_181 : i32
      %get3A_183 = arith.constant 26 : i32
      %get3A_184 = arith.index_cast %get3A_183 : i32 to index
      %get3A_185 = arith.index_cast %mul3A_182 : i32 to index
      %get3A_186 = tpu.vector_load %arg6[%get3A_184, %get3A_185] {strides = array<i32>} : memref<64x256xi32, #tpu.memory_space<vmem>>, vector<16xi32>,
      tpu.vector_store_idx %arg7[%add3A_25, %get3A_186], %broadcast_in_dim3A_5 {add = true} : memref<256x128xf32, #tpu.memory_space<vmem>>[vector<16xi32>, vector<16xi32>], vector<16xf32>,
      %mul3A_187 = arith.constant 16 : i32
      %mul3A_188 = arith.muli %scan3A_21, %mul3A_187 : i32
      %get3A_189 = arith.constant 27 : i32
      %get3A_190 = arith.index_cast %get3A_189 : i32 to index
      %get3A_191 = arith.index_cast %mul3A_188 : i32 to index
      %get3A_192 = tpu.vector_load %arg6[%get3A_190, %get3A_191] {strides = array<i32>} : memref<64x256xi32, #tpu.memory_space<vmem>>, vector<16xi32>,
      tpu.vector_store_idx %arg7[%add3A_25, %get3A_192], %broadcast_in_dim3A_5 {add = true} : memref<256x128xf32, #tpu.memory_space<vmem>>[vector<16xi32>, vector<16xi32>], vector<16xf32>,
      %mul3A_193 = arith.constant 16 : i32
      %mul3A_194 = arith.muli %scan3A_21, %mul3A_193 : i32
      %get3A_195 = arith.constant 28 : i32
      %get3A_196 = arith.index_cast %get3A_195 : i32 to index
      %get3A_197 = arith.index_cast %mul3A_194 : i32 to index
      %get3A_198 = tpu.vector_load %arg6[%get3A_196, %get3A_197] {strides = array<i32>} : memref<64x256xi32, #tpu.memory_space<vmem>>, vector<16xi32>,
      tpu.vector_store_idx %arg7[%add3A_25, %get3A_198], %broadcast_in_dim3A_5 {add = true} : memref<256x128xf32, #tpu.memory_space<vmem>>[vector<16xi32>, vector<16xi32>], vector<16xf32>,
      %mul3A_199 = arith.constant 16 : i32
      %mul3A_200 = arith.muli %scan3A_21, %mul3A_199 : i32
      %get3A_201 = arith.constant 29 : i32
      %get3A_202 = arith.index_cast %get3A_201 : i32 to index
      %get3A_203 = arith.index_cast %mul3A_200 : i32 to index
      %get3A_204 = tpu.vector_load %arg6[%get3A_202, %get3A_203] {strides = array<i32>} : memref<64x256xi32, #tpu.memory_space<vmem>>, vector<16xi32>,
      tpu.vector_store_idx %arg7[%add3A_25, %get3A_204], %broadcast_in_dim3A_5 {add = true} : memref<256x128xf32, #tpu.memory_space<vmem>>[vector<16xi32>, vector<16xi32>], vector<16xf32>,
      %mul3A_205 = arith.constant 16 : i32
      %mul3A_206 = arith.muli %scan3A_21, %mul3A_205 : i32
      %get3A_207 = arith.constant 30 : i32
      %get3A_208 = arith.index_cast %get3A_207 : i32 to index
      %get3A_209 = arith.index_cast %mul3A_206 : i32 to index
      %get3A_210 = tpu.vector_load %arg6[%get3A_208, %get3A_209] {strides = array<i32>} : memref<64x256xi32, #tpu.memory_space<vmem>>, vector<16xi32>,
      tpu.vector_store_idx %arg7[%add3A_25, %get3A_210], %broadcast_in_dim3A_5 {add = true} : memref<256x128xf32, #tpu.memory_space<vmem>>[vector<16xi32>, vector<16xi32>], vector<16xf32>,
      %mul3A_211 = arith.constant 16 : i32
      %mul3A_212 = arith.muli %scan3A_21, %mul3A_211 : i32
      %get3A_213 = arith.constant 31 : i32
      %get3A_214 = arith.index_cast %get3A_213 : i32 to index
      %get3A_215 = arith.index_cast %mul3A_212 : i32 to index
      %get3A_216 = tpu.vector_load %arg6[%get3A_214, %get3A_215] {strides = array<i32>} : memref<64x256xi32, #tpu.memory_space<vmem>>, vector<16xi32>,
      tpu.vector_store_idx %arg7[%add3A_25, %get3A_216], %broadcast_in_dim3A_5 {add = true} : memref<256x128xf32, #tpu.memory_space<vmem>>[vector<16xi32>, vector<16xi32>], vector<16xf32>,
      %mul3A_217 = arith.constant 16 : i32
      %mul3A_218 = arith.muli %scan3A_21, %mul3A_217 : i32
      %get3A_219 = arith.constant 32 : i32
      %get3A_220 = arith.index_cast %get3A_219 : i32 to index
      %get3A_221 = arith.index_cast %mul3A_218 : i32 to index
      %get3A_222 = tpu.vector_load %arg6[%get3A_220, %get3A_221] {strides = array<i32>} : memref<64x256xi32, #tpu.memory_space<vmem>>, vector<16xi32>,
      tpu.vector_store_idx %arg7[%add3A_25, %get3A_222], %broadcast_in_dim3A_5 {add = true} : memref<256x128xf32, #tpu.memory_space<vmem>>[vector<16xi32>, vector<16xi32>], vector<16xf32>,
      %mul3A_223 = arith.constant 16 : i32
      %mul3A_224 = arith.muli %scan3A_21, %mul3A_223 : i32
      %get3A_225 = arith.constant 33 : i32
      %get3A_226 = arith.index_cast %get3A_225 : i32 to index
      %get3A_227 = arith.index_cast %mul3A_224 : i32 to index
      %get3A_228 = tpu.vector_load %arg6[%get3A_226, %get3A_227] {strides = array<i32>} : memref<64x256xi32, #tpu.memory_space<vmem>>, vector<16xi32>,
      tpu.vector_store_idx %arg7[%add3A_25, %get3A_228], %broadcast_in_dim3A_5 {add = true} : memref<256x128xf32, #tpu.memory_space<vmem>>[vector<16xi32>, vector<16xi32>], vector<16xf32>,
      %mul3A_229 = arith.constant 16 : i32
      %mul3A_230 = arith.muli %scan3A_21, %mul3A_229 : i32
      %get3A_231 = arith.constant 34 : i32
      %get3A_232 = arith.index_cast %get3A_231 : i32 to index
      %get3A_233 = arith.index_cast %mul3A_230 : i32 to index
      %get3A_234 = tpu.vector_load %arg6[%get3A_232, %get3A_233] {strides = array<i32>} : memref<64x256xi32, #tpu.memory_space<vmem>>, vector<16xi32>,
      tpu.vector_store_idx %arg7[%add3A_25, %get3A_234], %broadcast_in_dim3A_5 {add = true} : memref<256x128xf32, #tpu.memory_space<vmem>>[vector<16xi32>, vector<16xi32>], vector<16xf32>,
      %mul3A_235 = arith.constant 16 : i32
      %mul3A_236 = arith.muli %scan3A_21, %mul3A_235 : i32
      %get3A_237 = arith.constant 35 : i32
      %get3A_238 = arith.index_cast %get3A_237 : i32 to index
      %get3A_239 = arith.index_cast %mul3A_236 : i32 to index
      %get3A_240 = tpu.vector_load %arg6[%get3A_238, %get3A_239] {strides = array<i32>} : memref<64x256xi32, #tpu.memory_space<vmem>>, vector<16xi32>,
      tpu.vector_store_idx %arg7[%add3A_25, %get3A_240], %broadcast_in_dim3A_5 {add = true} : memref<256x128xf32, #tpu.memory_space<vmem>>[vector<16xi32>, vector<16xi32>], vector<16xf32>,
      %mul3A_241 = arith.constant 16 : i32
      %mul3A_242 = arith.muli %scan3A_21, %mul3A_241 : i32
      %get3A_243 = arith.constant 36 : i32
      %get3A_244 = arith.index_cast %get3A_243 : i32 to index
      %get3A_245 = arith.index_cast %mul3A_242 : i32 to index
      %get3A_246 = tpu.vector_load %arg6[%get3A_244, %get3A_245] {strides = array<i32>} : memref<64x256xi32, #tpu.memory_space<vmem>>, vector<16xi32>,
      tpu.vector_store_idx %arg7[%add3A_25, %get3A_246], %broadcast_in_dim3A_5 {add = true} : memref<256x128xf32, #tpu.memory_space<vmem>>[vector<16xi32>, vector<16xi32>], vector<16xf32>,
      %mul3A_247 = arith.constant 16 : i32
      %mul3A_248 = arith.muli %scan3A_21, %mul3A_247 : i32
      %get3A_249 = arith.constant 37 : i32
      %get3A_250 = arith.index_cast %get3A_249 : i32 to index
      %get3A_251 = arith.index_cast %mul3A_248 : i32 to index
      %get3A_252 = tpu.vector_load %arg6[%get3A_250, %get3A_251] {strides = array<i32>} : memref<64x256xi32, #tpu.memory_space<vmem>>, vector<16xi32>,
      tpu.vector_store_idx %arg7[%add3A_25, %get3A_252], %broadcast_in_dim3A_5 {add = true} : memref<256x128xf32, #tpu.memory_space<vmem>>[vector<16xi32>, vector<16xi32>], vector<16xf32>,
      %mul3A_253 = arith.constant 16 : i32
      %mul3A_254 = arith.muli %scan3A_21, %mul3A_253 : i32
      %get3A_255 = arith.constant 38 : i32
      %get3A_256 = arith.index_cast %get3A_255 : i32 to index
      %get3A_257 = arith.index_cast %mul3A_254 : i32 to index
      %get3A_258 = tpu.vector_load %arg6[%get3A_256, %get3A_257] {strides = array<i32>} : memref<64x256xi32, #tpu.memory_space<vmem>>, vector<16xi32>,
      tpu.vector_store_idx %arg7[%add3A_25, %get3A_258], %broadcast_in_dim3A_5 {add = true} : memref<256x128xf32, #tpu.memory_space<vmem>>[vector<16xi32>, vector<16xi32>], vector<16xf32>,
      %mul3A_259 = arith.constant 16 : i32
      %mul3A_260 = arith.muli %scan3A_21, %mul3A_259 : i32
      %get3A_261 = arith.constant 39 : i32
      %get3A_262 = arith.index_cast %get3A_261 : i32 to index
      %get3A_263 = arith.index_cast %mul3A_260 : i32 to index
      %get3A_264 = tpu.vector_load %arg6[%get3A_262, %get3A_263] {strides = array<i32>} : memref<64x256xi32, #tpu.memory_space<vmem>>, vector<16xi32>,
      tpu.vector_store_idx %arg7[%add3A_25, %get3A_264], %broadcast_in_dim3A_5 {add = true} : memref<256x128xf32, #tpu.memory_space<vmem>>[vector<16xi32>, vector<16xi32>], vector<16xf32>,
      %mul3A_265 = arith.constant 16 : i32
      %mul3A_266 = arith.muli %scan3A_21, %mul3A_265 : i32
      %get3A_267 = arith.constant 40 : i32
      %get3A_268 = arith.index_cast %get3A_267 : i32 to index
      %get3A_269 = arith.index_cast %mul3A_266 : i32 to index
      %get3A_270 = tpu.vector_load %arg6[%get3A_268, %get3A_269] {strides = array<i32>} : memref<64x256xi32, #tpu.memory_space<vmem>>, vector<16xi32>,
      tpu.vector_store_idx %arg7[%add3A_25, %get3A_270], %broadcast_in_dim3A_5 {add = true} : memref<256x128xf32, #tpu.memory_space<vmem>>[vector<16xi32>, vector<16xi32>], vector<16xf32>,
      %mul3A_271 = arith.constant 16 : i32
      %mul3A_272 = arith.muli %scan3A_21, %mul3A_271 : i32
      %get3A_273 = arith.constant 41 : i32
      %get3A_274 = arith.index_cast %get3A_273 : i32 to index
      %get3A_275 = arith.index_cast %mul3A_272 : i32 to index
      %get3A_276 = tpu.vector_load %arg6[%get3A_274, %get3A_275] {strides = array<i32>} : memref<64x256xi32, #tpu.memory_space<vmem>>, vector<16xi32>,
      tpu.vector_store_idx %arg7[%add3A_25, %get3A_276], %broadcast_in_dim3A_5 {add = true} : memref<256x128xf32, #tpu.memory_space<vmem>>[vector<16xi32>, vector<16xi32>], vector<16xf32>,
      %mul3A_277 = arith.constant 16 : i32
      %mul3A_278 = arith.muli %scan3A_21, %mul3A_277 : i32
      %get3A_279 = arith.constant 42 : i32
      %get3A_280 = arith.index_cast %get3A_279 : i32 to index
      %get3A_281 = arith.index_cast %mul3A_278 : i32 to index
      %get3A_282 = tpu.vector_load %arg6[%get3A_280, %get3A_281] {strides = array<i32>} : memref<64x256xi32, #tpu.memory_space<vmem>>, vector<16xi32>,
      tpu.vector_store_idx %arg7[%add3A_25, %get3A_282], %broadcast_in_dim3A_5 {add = true} : memref<256x128xf32, #tpu.memory_space<vmem>>[vector<16xi32>, vector<16xi32>], vector<16xf32>,
      %mul3A_283 = arith.constant 16 : i32
      %mul3A_284 = arith.muli %scan3A_21, %mul3A_283 : i32
      %get3A_285 = arith.constant 43 : i32
      %get3A_286 = arith.index_cast %get3A_285 : i32 to index
      %get3A_287 = arith.index_cast %mul3A_284 : i32 to index
      %get3A_288 = tpu.vector_load %arg6[%get3A_286, %get3A_287] {strides = array<i32>} : memref<64x256xi32, #tpu.memory_space<vmem>>, vector<16xi32>,
      tpu.vector_store_idx %arg7[%add3A_25, %get3A_288], %broadcast_in_dim3A_5 {add = true} : memref<256x128xf32, #tpu.memory_space<vmem>>[vector<16xi32>, vector<16xi32>], vector<16xf32>,
      %mul3A_289 = arith.constant 16 : i32
      %mul3A_290 = arith.muli %scan3A_21, %mul3A_289 : i32
      %get3A_291 = arith.constant 44 : i32
      %get3A_292 = arith.index_cast %get3A_291 : i32 to index
      %get3A_293 = arith.index_cast %mul3A_290 : i32 to index
      %get3A_294 = tpu.vector_load %arg6[%get3A_292, %get3A_293] {strides = array<i32>} : memref<64x256xi32, #tpu.memory_space<vmem>>, vector<16xi32>,
      tpu.vector_store_idx %arg7[%add3A_25, %get3A_294], %broadcast_in_dim3A_5 {add = true} : memref<256x128xf32, #tpu.memory_space<vmem>>[vector<16xi32>, vector<16xi32>], vector<16xf32>,
      %mul3A_295 = arith.constant 16 : i32
      %mul3A_296 = arith.muli %scan3A_21, %mul3A_295 : i32
      %get3A_297 = arith.constant 45 : i32
      %get3A_298 = arith.index_cast %get3A_297 : i32 to index
      %get3A_299 = arith.index_cast %mul3A_296 : i32 to index
      %get3A_300 = tpu.vector_load %arg6[%get3A_298, %get3A_299] {strides = array<i32>} : memref<64x256xi32, #tpu.memory_space<vmem>>, vector<16xi32>,
      tpu.vector_store_idx %arg7[%add3A_25, %get3A_300], %broadcast_in_dim3A_5 {add = true} : memref<256x128xf32, #tpu.memory_space<vmem>>[vector<16xi32>, vector<16xi32>], vector<16xf32>,
      %mul3A_301 = arith.constant 16 : i32
      %mul3A_302 = arith.muli %scan3A_21, %mul3A_301 : i32
      %get3A_303 = arith.constant 46 : i32
      %get3A_304 = arith.index_cast %get3A_303 : i32 to index
      %get3A_305 = arith.index_cast %mul3A_302 : i32 to index
      %get3A_306 = tpu.vector_load %arg6[%get3A_304, %get3A_305] {strides = array<i32>} : memref<64x256xi32, #tpu.memory_space<vmem>>, vector<16xi32>,
      tpu.vector_store_idx %arg7[%add3A_25, %get3A_306], %broadcast_in_dim3A_5 {add = true} : memref<256x128xf32, #tpu.memory_space<vmem>>[vector<16xi32>, vector<16xi32>], vector<16xf32>,
      %mul3A_307 = arith.constant 16 : i32
      %mul3A_308 = arith.muli %scan3A_21, %mul3A_307 : i32
      %get3A_309 = arith.constant 47 : i32
      %get3A_310 = arith.index_cast %get3A_309 : i32 to index
      %get3A_311 = arith.index_cast %mul3A_308 : i32 to index
      %get3A_312 = tpu.vector_load %arg6[%get3A_310, %get3A_311] {strides = array<i32>} : memref<64x256xi32, #tpu.memory_space<vmem>>, vector<16xi32>,
      tpu.vector_store_idx %arg7[%add3A_25, %get3A_312], %broadcast_in_dim3A_5 {add = true} : memref<256x128xf32, #tpu.memory_space<vmem>>[vector<16xi32>, vector<16xi32>], vector<16xf32>,
      %mul3A_313 = arith.constant 16 : i32
      %mul3A_314 = arith.muli %scan3A_21, %mul3A_313 : i32
      %get3A_315 = arith.constant 48 : i32
      %get3A_316 = arith.index_cast %get3A_315 : i32 to index
      %get3A_317 = arith.index_cast %mul3A_314 : i32 to index
      %get3A_318 = tpu.vector_load %arg6[%get3A_316, %get3A_317] {strides = array<i32>} : memref<64x256xi32, #tpu.memory_space<vmem>>, vector<16xi32>,
      tpu.vector_store_idx %arg7[%add3A_25, %get3A_318], %broadcast_in_dim3A_5 {add = true} : memref<256x128xf32, #tpu.memory_space<vmem>>[vector<16xi32>, vector<16xi32>], vector<16xf32>,
      %mul3A_319 = arith.constant 16 : i32
      %mul3A_320 = arith.muli %scan3A_21, %mul3A_319 : i32
      %get3A_321 = arith.constant 49 : i32
      %get3A_322 = arith.index_cast %get3A_321 : i32 to index
      %get3A_323 = arith.index_cast %mul3A_320 : i32 to index
      %get3A_324 = tpu.vector_load %arg6[%get3A_322, %get3A_323] {strides = array<i32>} : memref<64x256xi32, #tpu.memory_space<vmem>>, vector<16xi32>,
      tpu.vector_store_idx %arg7[%add3A_25, %get3A_324], %broadcast_in_dim3A_5 {add = true} : memref<256x128xf32, #tpu.memory_space<vmem>>[vector<16xi32>, vector<16xi32>], vector<16xf32>,
      %mul3A_325 = arith.constant 16 : i32
      %mul3A_326 = arith.muli %scan3A_21, %mul3A_325 : i32
      %get3A_327 = arith.constant 50 : i32
      %get3A_328 = arith.index_cast %get3A_327 : i32 to index
      %get3A_329 = arith.index_cast %mul3A_326 : i32 to index
      %get3A_330 = tpu.vector_load %arg6[%get3A_328, %get3A_329] {strides = array<i32>} : memref<64x256xi32, #tpu.memory_space<vmem>>, vector<16xi32>,
      tpu.vector_store_idx %arg7[%add3A_25, %get3A_330], %broadcast_in_dim3A_5 {add = true} : memref<256x128xf32, #tpu.memory_space<vmem>>[vector<16xi32>, vector<16xi32>], vector<16xf32>,
      %mul3A_331 = arith.constant 16 : i32
      %mul3A_332 = arith.muli %scan3A_21, %mul3A_331 : i32
      %get3A_333 = arith.constant 51 : i32
      %get3A_334 = arith.index_cast %get3A_333 : i32 to index
      %get3A_335 = arith.index_cast %mul3A_332 : i32 to index
      %get3A_336 = tpu.vector_load %arg6[%get3A_334, %get3A_335] {strides = array<i32>} : memref<64x256xi32, #tpu.memory_space<vmem>>, vector<16xi32>,
      tpu.vector_store_idx %arg7[%add3A_25, %get3A_336], %broadcast_in_dim3A_5 {add = true} : memref<256x128xf32, #tpu.memory_space<vmem>>[vector<16xi32>, vector<16xi32>], vector<16xf32>,
      %mul3A_337 = arith.constant 16 : i32
      %mul3A_338 = arith.muli %scan3A_21, %mul3A_337 : i32
      %get3A_339 = arith.constant 52 : i32
      %get3A_340 = arith.index_cast %get3A_339 : i32 to index
      %get3A_341 = arith.index_cast %mul3A_338 : i32 to index
      %get3A_342 = tpu.vector_load %arg6[%get3A_340, %get3A_341] {strides = array<i32>} : memref<64x256xi32, #tpu.memory_space<vmem>>, vector<16xi32>,
      tpu.vector_store_idx %arg7[%add3A_25, %get3A_342], %broadcast_in_dim3A_5 {add = true} : memref<256x128xf32, #tpu.memory_space<vmem>>[vector<16xi32>, vector<16xi32>], vector<16xf32>,
      %mul3A_343 = arith.constant 16 : i32
      %mul3A_344 = arith.muli %scan3A_21, %mul3A_343 : i32
      %get3A_345 = arith.constant 53 : i32
      %get3A_346 = arith.index_cast %get3A_345 : i32 to index
      %get3A_347 = arith.index_cast %mul3A_344 : i32 to index
      %get3A_348 = tpu.vector_load %arg6[%get3A_346, %get3A_347] {strides = array<i32>} : memref<64x256xi32, #tpu.memory_space<vmem>>, vector<16xi32>,
      tpu.vector_store_idx %arg7[%add3A_25, %get3A_348], %broadcast_in_dim3A_5 {add = true} : memref<256x128xf32, #tpu.memory_space<vmem>>[vector<16xi32>, vector<16xi32>], vector<16xf32>,
      %mul3A_349 = arith.constant 16 : i32
      %mul3A_350 = arith.muli %scan3A_21, %mul3A_349 : i32
      %get3A_351 = arith.constant 54 : i32
      %get3A_352 = arith.index_cast %get3A_351 : i32 to index
      %get3A_353 = arith.index_cast %mul3A_350 : i32 to index
      %get3A_354 = tpu.vector_load %arg6[%get3A_352, %get3A_353] {strides = array<i32>} : memref<64x256xi32, #tpu.memory_space<vmem>>, vector<16xi32>,
      tpu.vector_store_idx %arg7[%add3A_25, %get3A_354], %broadcast_in_dim3A_5 {add = true} : memref<256x128xf32, #tpu.memory_space<vmem>>[vector<16xi32>, vector<16xi32>], vector<16xf32>,
      %mul3A_355 = arith.constant 16 : i32
      %mul3A_356 = arith.muli %scan3A_21, %mul3A_355 : i32
      %get3A_357 = arith.constant 55 : i32
      %get3A_358 = arith.index_cast %get3A_357 : i32 to index
      %get3A_359 = arith.index_cast %mul3A_356 : i32 to index
      %get3A_360 = tpu.vector_load %arg6[%get3A_358, %get3A_359] {strides = array<i32>} : memref<64x256xi32, #tpu.memory_space<vmem>>, vector<16xi32>,
      tpu.vector_store_idx %arg7[%add3A_25, %get3A_360], %broadcast_in_dim3A_5 {add = true} : memref<256x128xf32, #tpu.memory_space<vmem>>[vector<16xi32>, vector<16xi32>], vector<16xf32>,
      %mul3A_361 = arith.constant 16 : i32
      %mul3A_362 = arith.muli %scan3A_21, %mul3A_361 : i32
      %get3A_363 = arith.constant 56 : i32
      %get3A_364 = arith.index_cast %get3A_363 : i32 to index
      %get3A_365 = arith.index_cast %mul3A_362 : i32 to index
      %get3A_366 = tpu.vector_load %arg6[%get3A_364, %get3A_365] {strides = array<i32>} : memref<64x256xi32, #tpu.memory_space<vmem>>, vector<16xi32>,
      tpu.vector_store_idx %arg7[%add3A_25, %get3A_366], %broadcast_in_dim3A_5 {add = true} : memref<256x128xf32, #tpu.memory_space<vmem>>[vector<16xi32>, vector<16xi32>], vector<16xf32>,
      %mul3A_367 = arith.constant 16 : i32
      %mul3A_368 = arith.muli %scan3A_21, %mul3A_367 : i32
      %get3A_369 = arith.constant 57 : i32
      %get3A_370 = arith.index_cast %get3A_369 : i32 to index
      %get3A_371 = arith.index_cast %mul3A_368 : i32 to index
      %get3A_372 = tpu.vector_load %arg6[%get3A_370, %get3A_371] {strides = array<i32>} : memref<64x256xi32, #tpu.memory_space<vmem>>, vector<16xi32>,
      tpu.vector_store_idx %arg7[%add3A_25, %get3A_372], %broadcast_in_dim3A_5 {add = true} : memref<256x128xf32, #tpu.memory_space<vmem>>[vector<16xi32>, vector<16xi32>], vector<16xf32>,
      %mul3A_373 = arith.constant 16 : i32
      %mul3A_374 = arith.muli %scan3A_21, %mul3A_373 : i32
      %get3A_375 = arith.constant 58 : i32
      %get3A_376 = arith.index_cast %get3A_375 : i32 to index
      %get3A_377 = arith.index_cast %mul3A_374 : i32 to index
      %get3A_378 = tpu.vector_load %arg6[%get3A_376, %get3A_377] {strides = array<i32>} : memref<64x256xi32, #tpu.memory_space<vmem>>, vector<16xi32>,
      tpu.vector_store_idx %arg7[%add3A_25, %get3A_378], %broadcast_in_dim3A_5 {add = true} : memref<256x128xf32, #tpu.memory_space<vmem>>[vector<16xi32>, vector<16xi32>], vector<16xf32>,
      %mul3A_379 = arith.constant 16 : i32
      %mul3A_380 = arith.muli %scan3A_21, %mul3A_379 : i32
      %get3A_381 = arith.constant 59 : i32
      %get3A_382 = arith.index_cast %get3A_381 : i32 to index
      %get3A_383 = arith.index_cast %mul3A_380 : i32 to index
      %get3A_384 = tpu.vector_load %arg6[%get3A_382, %get3A_383] {strides = array<i32>} : memref<64x256xi32, #tpu.memory_space<vmem>>, vector<16xi32>,
      tpu.vector_store_idx %arg7[%add3A_25, %get3A_384], %broadcast_in_dim3A_5 {add = true} : memref<256x128xf32, #tpu.memory_space<vmem>>[vector<16xi32>, vector<16xi32>], vector<16xf32>,
      %mul3A_385 = arith.constant 16 : i32
      %mul3A_386 = arith.muli %scan3A_21, %mul3A_385 : i32
      %get3A_387 = arith.constant 60 : i32
      %get3A_388 = arith.index_cast %get3A_387 : i32 to index
      %get3A_389 = arith.index_cast %mul3A_386 : i32 to index
      %get3A_390 = tpu.vector_load %arg6[%get3A_388, %get3A_389] {strides = array<i32>} : memref<64x256xi32, #tpu.memory_space<vmem>>, vector<16xi32>,
      tpu.vector_store_idx %arg7[%add3A_25, %get3A_390], %broadcast_in_dim3A_5 {add = true} : memref<256x128xf32, #tpu.memory_space<vmem>>[vector<16xi32>, vector<16xi32>], vector<16xf32>,
      %mul3A_391 = arith.constant 16 : i32
      %mul3A_392 = arith.muli %scan3A_21, %mul3A_391 : i32
      %get3A_393 = arith.constant 61 : i32
      %get3A_394 = arith.index_cast %get3A_393 : i32 to index
      %get3A_395 = arith.index_cast %mul3A_392 : i32 to index
      %get3A_396 = tpu.vector_load %arg6[%get3A_394, %get3A_395] {strides = array<i32>} : memref<64x256xi32, #tpu.memory_space<vmem>>, vector<16xi32>,
      tpu.vector_store_idx %arg7[%add3A_25, %get3A_396], %broadcast_in_dim3A_5 {add = true} : memref<256x128xf32, #tpu.memory_space<vmem>>[vector<16xi32>, vector<16xi32>], vector<16xf32>,
      %mul3A_397 = arith.constant 16 : i32
      %mul3A_398 = arith.muli %scan3A_21, %mul3A_397 : i32
      %get3A_399 = arith.constant 62 : i32
      %get3A_400 = arith.index_cast %get3A_399 : i32 to index
      %get3A_401 = arith.index_cast %mul3A_398 : i32 to index
      %get3A_402 = tpu.vector_load %arg6[%get3A_400, %get3A_401] {strides = array<i32>} : memref<64x256xi32, #tpu.memory_space<vmem>>, vector<16xi32>,
      tpu.vector_store_idx %arg7[%add3A_25, %get3A_402], %broadcast_in_dim3A_5 {add = true} : memref<256x128xf32, #tpu.memory_space<vmem>>[vector<16xi32>, vector<16xi32>], vector<16xf32>,
      %mul3A_403 = arith.constant 16 : i32
      %mul3A_404 = arith.muli %scan3A_21, %mul3A_403 : i32
      %get3A_405 = arith.constant 63 : i32
      %get3A_406 = arith.index_cast %get3A_405 : i32 to index
      %get3A_407 = arith.index_cast %mul3A_404 : i32 to index
      %get3A_408 = tpu.vector_load %arg6[%get3A_406, %get3A_407] {strides = array<i32>} : memref<64x256xi32, #tpu.memory_space<vmem>>, vector<16xi32>,
      tpu.vector_store_idx %arg7[%add3A_25, %get3A_408], %broadcast_in_dim3A_5 {add = true} : memref<256x128xf32, #tpu.memory_space<vmem>>[vector<16xi32>, vector<16xi32>], vector<16xf32>,
    }
    %scan3A_16 = arith.constant 16 : i32
    "tpu.region"() ({
      %run_scoped3A = tpu.sem_alloc : memref<!tpu.dma_semaphore, #tpu.memory_space<semaphore_mem>>
      %dma_start3A = arith.constant 0 : i32
      %dma_start3A_21 = tpu.memref_slice %arg4[%mul3A_2, %dma_start3A] : memref<8192x128xf32, #tpu.memory_space<hbm>> -> memref<256x128xf32, #tpu.memory_space<hbm>>
      %dma_start3A_22 = arith.constant 0 : i32
      %dma_start3A_23 = tpu.memref_slice %arg4[%mul3A_2, %dma_start3A_22] : memref<8192x128xf32, #tpu.memory_space<hbm>> -> memref<256x128xf32, #tpu.memory_space<hbm>>
      tpu.enqueue_dma source(%arg7 : memref<256x128xf32, #tpu.memory_space<vmem>>) target(%dma_start3A_23 : memref<256x128xf32, #tpu.memory_space<hbm>>) target_semaphore(%run_scoped3A : memref<!tpu.dma_semaphore, #tpu.memory_space<semaphore_mem>>)
      %dma_wait3A = arith.constant 0 : i32
      %dma_wait3A_24 = tpu.memref_slice %arg4[%mul3A_2, %dma_wait3A] : memref<8192x128xf32, #tpu.memory_space<hbm>> -> memref<256x128xf32, #tpu.memory_space<hbm>>
      %dma_wait3A_25 = arith.constant 0 : i32
      %dma_wait3A_26 = tpu.memref_slice %arg4[%mul3A_2, %dma_wait3A_25] : memref<8192x128xf32, #tpu.memory_space<hbm>> -> memref<256x128xf32, #tpu.memory_space<hbm>>
      tpu.wait_dma2 semaphore(%run_scoped3A : memref<!tpu.dma_semaphore, #tpu.memory_space<semaphore_mem>>) src(%arg7 : memref<256x128xf32, #tpu.memory_space<vmem>>) dst(%dma_wait3A_26 : memref<256x128xf32, #tpu.memory_space<hbm>>)
      tpu.yield
    }) : () -> ()
    %eq3A = arith.constant 0 : i32
    %eq3A_17 = arith.cmpi eq, %arg0, %eq3A : i32
    %eq3A_18 = arith.constant 0 : i32
    %eq3A_19 = arith.cmpi eq, %arg1, %eq3A_18 : i32
    %and3A = arith.andi %eq3A_17, %eq3A_19 : i1
    %convert_element_type3A = arith.extui %and3A : i1 to i32
    %cond3A = arith.constant 0 : i32
    %cond3A_20 = arith.cmpi ne, %convert_element_type3A, %cond3A : i32
    scf.if %cond3A_20 {
      "tpu.region"() ({
        %run_scoped3A = tpu.sem_alloc : memref<!tpu.dma_semaphore, #tpu.memory_space<semaphore_mem>>
        tpu.enqueue_dma source(%arg3 : memref<64xi32, #tpu.memory_space<hbm>>) target(%arg8 : memref<64xi32, #tpu.memory_space<vmem>>) target_semaphore(%run_scoped3A : memref<!tpu.dma_semaphore, #tpu.memory_space<semaphore_mem>>)
        tpu.wait_dma2 semaphore(%run_scoped3A : memref<!tpu.dma_semaphore, #tpu.memory_space<semaphore_mem>>) src(%arg3 : memref<64xi32, #tpu.memory_space<hbm>>) dst(%arg8 : memref<64xi32, #tpu.memory_space<vmem>>)
        tpu.yield
      }) : () -> ()
      %swap3A = arith.constant 0 : index
      %swap3A_21 = tpu.vector_load %arg9[%swap3A] {strides = array<i32>} : memref<128xf32, #tpu.memory_space<vmem>>, vector<16xf32>,
      tpu.vector_store %arg9[%swap3A], %broadcast_in_dim3A_3 {strides = array<i32>} : memref<128xf32, #tpu.memory_space<vmem>>, vector<16xf32>,
      %swap3A_22 = arith.constant 16 : index
      %swap3A_23 = tpu.vector_load %arg9[%swap3A_22] {strides = array<i32>} : memref<128xf32, #tpu.memory_space<vmem>>, vector<16xf32>,
      tpu.vector_store %arg9[%swap3A_22], %broadcast_in_dim3A_3 {strides = array<i32>} : memref<128xf32, #tpu.memory_space<vmem>>, vector<16xf32>,
      %swap3A_24 = arith.constant 32 : index
      %swap3A_25 = tpu.vector_load %arg9[%swap3A_24] {strides = array<i32>} : memref<128xf32, #tpu.memory_space<vmem>>, vector<16xf32>,
      tpu.vector_store %arg9[%swap3A_24], %broadcast_in_dim3A_3 {strides = array<i32>} : memref<128xf32, #tpu.memory_space<vmem>>, vector<16xf32>,
      %swap3A_26 = arith.constant 48 : index
      %swap3A_27 = tpu.vector_load %arg9[%swap3A_26] {strides = array<i32>} : memref<128xf32, #tpu.memory_space<vmem>>, vector<16xf32>,
      tpu.vector_store %arg9[%swap3A_26], %broadcast_in_dim3A_3 {strides = array<i32>} : memref<128xf32, #tpu.memory_space<vmem>>, vector<16xf32>,
      %swap3A_28 = arith.constant 64 : index
      %swap3A_29 = tpu.vector_load %arg9[%swap3A_28] {strides = array<i32>} : memref<128xf32, #tpu.memory_space<vmem>>, vector<16xf32>,
      tpu.vector_store %arg9[%swap3A_28], %broadcast_in_dim3A_3 {strides = array<i32>} : memref<128xf32, #tpu.memory_space<vmem>>, vector<16xf32>,
      %swap3A_30 = arith.constant 80 : index
      %swap3A_31 = tpu.vector_load %arg9[%swap3A_30] {strides = array<i32>} : memref<128xf32, #tpu.memory_space<vmem>>, vector<16xf32>,
      tpu.vector_store %arg9[%swap3A_30], %broadcast_in_dim3A_3 {strides = array<i32>} : memref<128xf32, #tpu.memory_space<vmem>>, vector<16xf32>,
      %swap3A_32 = arith.constant 96 : index
      %swap3A_33 = tpu.vector_load %arg9[%swap3A_32] {strides = array<i32>} : memref<128xf32, #tpu.memory_space<vmem>>, vector<16xf32>,
      tpu.vector_store %arg9[%swap3A_32], %broadcast_in_dim3A_3 {strides = array<i32>} : memref<128xf32, #tpu.memory_space<vmem>>, vector<16xf32>,
      %swap3A_34 = arith.constant 112 : index
      %swap3A_35 = tpu.vector_load %arg9[%swap3A_34] {strides = array<i32>} : memref<128xf32, #tpu.memory_space<vmem>>, vector<16xf32>,
      tpu.vector_store %arg9[%swap3A_34], %broadcast_in_dim3A_3 {strides = array<i32>} : memref<128xf32, #tpu.memory_space<vmem>>, vector<16xf32>,
      %get3A = arith.constant 0 : index
      %get3A_36 = tpu.vector_load %arg8[%get3A] {strides = array<i32>} : memref<64xi32, #tpu.memory_space<vmem>>, vector<16xi32>,
      tpu.vector_store_idx %arg9[%get3A_36], %broadcast_in_dim3A_5 {add = true} : memref<128xf32, #tpu.memory_space<vmem>>[vector<16xi32>], vector<16xf32>,
      %get3A_37 = arith.constant 16 : index
      %get3A_38 = tpu.vector_load %arg8[%get3A_37] {strides = array<i32>} : memref<64xi32, #tpu.memory_space<vmem>>, vector<16xi32>,
      tpu.vector_store_idx %arg9[%get3A_38], %broadcast_in_dim3A_5 {add = true} : memref<128xf32, #tpu.memory_space<vmem>>[vector<16xi32>], vector<16xf32>,
      %get3A_39 = arith.constant 32 : index
      %get3A_40 = tpu.vector_load %arg8[%get3A_39] {strides = array<i32>} : memref<64xi32, #tpu.memory_space<vmem>>, vector<16xi32>,
      tpu.vector_store_idx %arg9[%get3A_40], %broadcast_in_dim3A_5 {add = true} : memref<128xf32, #tpu.memory_space<vmem>>[vector<16xi32>], vector<16xf32>,
      %get3A_41 = arith.constant 48 : index
      %get3A_42 = tpu.vector_load %arg8[%get3A_41] {strides = array<i32>} : memref<64xi32, #tpu.memory_space<vmem>>, vector<16xi32>,
      tpu.vector_store_idx %arg9[%get3A_42], %broadcast_in_dim3A_5 {add = true} : memref<128xf32, #tpu.memory_space<vmem>>[vector<16xi32>], vector<16xf32>,
      "tpu.region"() ({
        %run_scoped3A = tpu.sem_alloc : memref<!tpu.dma_semaphore, #tpu.memory_space<semaphore_mem>>
        tpu.enqueue_dma source(%arg9 : memref<128xf32, #tpu.memory_space<vmem>>) target(%arg5 : memref<128xf32, #tpu.memory_space<hbm>>) target_semaphore(%run_scoped3A : memref<!tpu.dma_semaphore, #tpu.memory_space<semaphore_mem>>)
        tpu.wait_dma2 semaphore(%run_scoped3A : memref<!tpu.dma_semaphore, #tpu.memory_space<semaphore_mem>>) src(%arg9 : memref<128xf32, #tpu.memory_space<vmem>>) dst(%arg5 : memref<128xf32, #tpu.memory_space<hbm>>)
        tpu.yield
      }) : () -> ()
    } else {
    }
    return
  }
}

module attributes {stable_mosaic.version = 14 : i64} {
  func.func @_fused_tc_kernel(%arg0: i32, %arg1: memref<1024x128xf32, #tpu.memory_space<vmem>>, %arg2: memref<1x128xf32, #tpu.memory_space<vmem>>, %arg3: memref<1024x1xi32, #tpu.memory_space<vmem>>, %arg4: memref<128x128xf32, #tpu.memory_space<vmem>>, %arg5: memref<128x4096xf32, #tpu.memory_space<vmem>>, %arg6: memref<1x4096xf32, #tpu.memory_space<vmem>>, %arg7: memref<64x128xf32, #tpu.memory_space<vmem>>, %arg8: memref<9xi32, #tpu.memory_space<smem>>, %arg9: memref<1024x1xf32, #tpu.memory_space<vmem>>, %arg10: memref<64x128xf32, #tpu.memory_space<vmem>>, %arg11: memref<128x4096xbf16, #tpu.memory_space<vmem>>) attributes {dimension_semantics = [#tpu.dimension_semantics<arbitrary>], iteration_bounds = array<i64: 8>, scalar_prefetch = 0 : i64, scratch_operands = 1 : i64, tpu.core_type = #tpu.core_type<tc>, window_params = [{transform_indices = @transform_0, window_bounds = array<i64: 1024, 128>}, {pipeline_mode = #tpu.pipeline_mode<synchronous>, transform_indices = @transform_1, window_bounds = array<i64: 1, 128>}, {transform_indices = @transform_2, window_bounds = array<i64: 1024, 1>}, {pipeline_mode = #tpu.pipeline_mode<synchronous>, transform_indices = @transform_3, window_bounds = array<i64: 128, 128>}, {pipeline_mode = #tpu.pipeline_mode<synchronous>, transform_indices = @transform_4, window_bounds = array<i64: 128, 4096>}, {pipeline_mode = #tpu.pipeline_mode<synchronous>, transform_indices = @transform_5, window_bounds = array<i64: 1, 4096>}, {pipeline_mode = #tpu.pipeline_mode<synchronous>, transform_indices = @transform_6, window_bounds = array<i64: 64, 128>}, {transform_indices = @transform_7, window_bounds = array<i64: 9>}, {transform_indices = @transform_8, window_bounds = array<i64: 1024, 1>}, {pipeline_mode = #tpu.pipeline_mode<synchronous>, transform_indices = @transform_9, window_bounds = array<i64: 64, 128>}]} {
    %eq3A = arith.constant 0 : i32
    %eq3A_0 = arith.cmpi eq, %arg0, %eq3A : i32
    %convert_element_type3A = arith.extui %eq3A_0 : i1 to i32
    %cond3A = arith.constant 0 : i32
    %cond3A_1 = arith.cmpi ne, %convert_element_type3A, %cond3A : i32
    scf.if %cond3A_1 {
      %get3A_23 = arith.constant 0 : index
      %get3A_24 = arith.constant 0 : index
      %get3A_25 = vector.load %arg4[%get3A_23, %get3A_24] : memref<128x128xf32, #tpu.memory_space<vmem>>, vector<128x128xf32>
      %convert_element_type3A_26 = arith.truncf %get3A_25 : vector<128x128xf32> to vector<128x128xbf16>
      %get3A_27 = arith.constant 0 : index
      %get3A_28 = arith.constant 0 : index
      %get3A_29 = vector.load %arg5[%get3A_27, %get3A_28] : memref<128x4096xf32, #tpu.memory_space<vmem>>, vector<128x4096xf32>
      %convert_element_type3A_30 = arith.truncf %get3A_29 : vector<128x4096xf32> to vector<128x4096xbf16>
      %dot_general3A_31 = arith.constant dense<0.000000e+00> : vector<128x4096xf32>
      %dot_general3A_32 = tpu.matmul %convert_element_type3A_26, %convert_element_type3A_30, %dot_general3A_31 {dimension_numbers = #tpu.dot_dimension_numbers<[1], [0], [0], [1], [0, 0, 1, 1], [], []>, transpose_lhs_hint = false} : vector<128x128xbf16>, vector<128x4096xbf16>, vector<128x4096xf32> -> vector<128x4096xf32>
      %get3A_33 = arith.constant 0 : index
      %get3A_34 = arith.constant 0 : index
      %get3A_35 = vector.load %arg2[%get3A_33, %get3A_34] : memref<1x128xf32, #tpu.memory_space<vmem>>, vector<1x128xf32>
      %convert_element_type3A_36 = arith.truncf %get3A_35 : vector<1x128xf32> to vector<1x128xbf16>
      %convert_element_type3A_37 = arith.truncf %dot_general3A_32 : vector<128x4096xf32> to vector<128x4096xbf16>
      %dot_general3A_38 = arith.constant dense<0.000000e+00> : vector<1x4096xf32>
      %dot_general3A_39 = tpu.matmul %convert_element_type3A_36, %convert_element_type3A_37, %dot_general3A_38 {dimension_numbers = #tpu.dot_dimension_numbers<[1], [0], [0], [1], [0, 0, 1, 1], [], []>, transpose_lhs_hint = false} : vector<1x128xbf16>, vector<128x4096xbf16>, vector<1x4096xf32> -> vector<1x4096xf32>
      %get3A_40 = arith.constant 0 : index
      %get3A_41 = arith.constant 0 : index
      %get3A_42 = vector.load %arg6[%get3A_40, %get3A_41] : memref<1x4096xf32, #tpu.memory_space<vmem>>, vector<1x4096xf32>
      %mul3A_43 = arith.constant 1.562500e-02 : f32
      %mul3A_44 = vector.broadcast %mul3A_43 : f32 to vector<1x4096xf32>
      %mul3A_45 = arith.mulf %dot_general3A_39, %mul3A_44 : vector<1x4096xf32>
      %sub3A_46 = arith.subf %get3A_42, %mul3A_45 : vector<1x4096xf32>
      %add3A = vector.broadcast %sub3A_46 : vector<1x4096xf32> to vector<128x4096xf32>
      %add3A_47 = arith.addf %dot_general3A_32, %add3A : vector<128x4096xf32>
      %mul3A_48 = arith.constant 0.0225421097 : f32
      %mul3A_49 = vector.broadcast %mul3A_48 : f32 to vector<128x4096xf32>
      %mul3A_50 = arith.mulf %add3A_47, %mul3A_49 : vector<128x4096xf32>
      %convert_element_type3A_51 = arith.truncf %mul3A_50 : vector<128x4096xf32> to vector<128x4096xbf16>
      %swap3A_52 = arith.constant 0 : index
      %swap3A_53 = arith.constant 0 : index
      %swap3A_54 = vector.load %arg11[%swap3A_52, %swap3A_53] : memref<128x4096xbf16, #tpu.memory_space<vmem>>, vector<128x4096xbf16>
      tpu.vector_store %arg11[%swap3A_52, %swap3A_53], %convert_element_type3A_51 {strides = array<i32>} : memref<128x4096xbf16, #tpu.memory_space<vmem>>, vector<128x4096xbf16>,
      %get3A_55 = arith.constant 0 : index
      %get3A_56 = arith.constant 0 : index
      %get3A_57 = vector.load %arg7[%get3A_55, %get3A_56] : memref<64x128xf32, #tpu.memory_space<vmem>>, vector<64x128xf32>
      %iota3A_58 = tpu.iota {dimensions = array<i32: 0>} : vector<128x128xi32>
      %iota3A_59 = tpu.iota {dimensions = array<i32: 1>} : vector<128x128xi32>
      %le3A = arith.cmpi sle, %iota3A_58, %iota3A_59 : vector<128x128xi32>
      %convert_element_type3A_60 = arith.extui %le3A : vector<128x128xi1> to vector<128x128xi32>
      %convert_element_type3A_61 = arith.sitofp %convert_element_type3A_60 : vector<128x128xi32> to vector<128x128xf32>
      %dot_general3A_62 = arith.constant dense<0.000000e+00> : vector<64x128xf32>
      %dot_general3A_63 = tpu.matmul %get3A_57, %convert_element_type3A_61, %dot_general3A_62 {dimension_numbers = #tpu.dot_dimension_numbers<[1], [0], [0], [1], [0, 0, 1, 1], [], []>, precision = #tpu.contract_precision<fp32>, transpose_lhs_hint = false} : vector<64x128xf32>, vector<128x128xf32>, vector<64x128xf32> -> vector<64x128xf32>
      %reduce_sum3A_64 = arith.constant dense<0.000000e+00> : vector<64xf32>
      %reduce_sum3A_65 = vector.multi_reduction <add>, %get3A_57, %reduce_sum3A_64 [1] : vector<64x128xf32> to vector<64xf32>
      %broadcast_in_dim3A_66 = vector.shape_cast %reduce_sum3A_65 : vector<64xf32> to vector<64x1xf32>
      %iota3A_67 = tpu.iota {dimensions = array<i32: 0>} : vector<64x64xi32>
      %iota3A_68 = tpu.iota {dimensions = array<i32: 1>} : vector<64x64xi32>
      %lt3A = arith.cmpi slt, %iota3A_68, %iota3A_67 : vector<64x64xi32>
      %convert_element_type3A_69 = arith.extui %lt3A : vector<64x64xi1> to vector<64x64xi32>
      %convert_element_type3A_70 = arith.sitofp %convert_element_type3A_69 : vector<64x64xi32> to vector<64x64xf32>
      %dot_general3A_71 = arith.constant dense<0.000000e+00> : vector<64x1xf32>
      %dot_general3A_72 = tpu.matmul %convert_element_type3A_70, %broadcast_in_dim3A_66, %dot_general3A_71 {dimension_numbers = #tpu.dot_dimension_numbers<[1], [0], [0], [1], [0, 0, 1, 1], [], []>, precision = #tpu.contract_precision<fp32>, transpose_lhs_hint = false} : vector<64x64xf32>, vector<64x1xf32>, vector<64x1xf32> -> vector<64x1xf32>
      %add3A_73 = vector.broadcast %dot_general3A_72 : vector<64x1xf32> to vector<64x128xf32>
      %add3A_74 = arith.addf %dot_general3A_63, %add3A_73 : vector<64x128xf32>
      %iota3A_75 = tpu.iota {dimensions = array<i32: 0>} : vector<64x128xi32>
      %mul3A_76 = arith.constant 128 : i32
      %mul3A_77 = vector.broadcast %mul3A_76 : i32 to vector<64x128xi32>
      %mul3A_78 = arith.muli %iota3A_75, %mul3A_77 : vector<64x128xi32>
      %iota3A_79 = tpu.iota {dimensions = array<i32: 1>} : vector<64x128xi32>
      %add3A_80 = arith.addi %mul3A_78, %iota3A_79 : vector<64x128xi32>
      %broadcast_in_dim3A_81 = arith.constant 0.000000e+00 : f32
      %broadcast_in_dim3A_82 = vector.broadcast %broadcast_in_dim3A_81 : f32 to vector<64x128xf32>
      %get3A_83 = arith.constant 0 : index
      %get3A_84 = memref.load %arg8[%get3A_83] : memref<9xi32, #tpu.memory_space<smem>>
      %get3A_85 = arith.constant 1 : index
      %get3A_86 = memref.load %arg8[%get3A_85] : memref<9xi32, #tpu.memory_space<smem>>
      %lt3A_87 = vector.broadcast %get3A_86 : i32 to vector<64x128xi32>
      %lt3A_88 = arith.cmpi slt, %add3A_80, %lt3A_87 : vector<64x128xi32>
      %jit3A_89 = arith.constant 0.000000e+00 : f32
      %broadcast_in_dim3A_90 = vector.broadcast %jit3A_89 : f32 to vector<64x128xf32>
      %select_n3A_91 = arith.select %lt3A_88, %get3A_57, %broadcast_in_dim3A_90 : vector<64x128xi1>, vector<64x128xf32>
      %reduce_sum3A_92 = vector.shape_cast %select_n3A_91 : vector<64x128xf32> to vector<1x64x128xf32>
      %reduce_sum3A_93 = arith.constant dense<0.000000e+00> : vector<1xf32>
      %reduce_sum3A_94 = vector.multi_reduction <add>, %reduce_sum3A_92, %reduce_sum3A_93 [1, 2] : vector<1x64x128xf32> to vector<1xf32>
      %reduce_sum3A_95 = vector.shape_cast %reduce_sum3A_94 : vector<1xf32> to vector<1x1x1xf32>
      %reduce_sum3A_96 = vector.extract %reduce_sum3A_95[0, 0, 0] : f32 from vector<1x1x1xf32>
      %ge3A = vector.broadcast %get3A_84 : i32 to vector<64x128xi32>
      %ge3A_97 = arith.cmpi sge, %add3A_80, %ge3A : vector<64x128xi32>
      %lt3A_98 = vector.broadcast %get3A_86 : i32 to vector<64x128xi32>
      %lt3A_99 = arith.cmpi slt, %add3A_80, %lt3A_98 : vector<64x128xi32>
      %and3A = arith.andi %ge3A_97, %lt3A_99 : vector<64x128xi1>
      %broadcast_in_dim3A_100 = vector.broadcast %reduce_sum3A_96 : f32 to vector<64x128xf32>
      %select_n3A_101 = arith.select %and3A, %broadcast_in_dim3A_100, %broadcast_in_dim3A_82 : vector<64x128xi1>, vector<64x128xf32>
      %get3A_102 = arith.constant 1 : index
      %get3A_103 = memref.load %arg8[%get3A_102] : memref<9xi32, #tpu.memory_space<smem>>
      %get3A_104 = arith.constant 2 : index
      %get3A_105 = memref.load %arg8[%get3A_104] : memref<9xi32, #tpu.memory_space<smem>>
      %lt3A_106 = vector.broadcast %get3A_105 : i32 to vector<64x128xi32>
      %lt3A_107 = arith.cmpi slt, %add3A_80, %lt3A_106 : vector<64x128xi32>
      %jit3A_108 = arith.constant 0.000000e+00 : f32
      %broadcast_in_dim3A_109 = vector.broadcast %jit3A_108 : f32 to vector<64x128xf32>
      %select_n3A_110 = arith.select %lt3A_107, %get3A_57, %broadcast_in_dim3A_109 : vector<64x128xi1>, vector<64x128xf32>
      %reduce_sum3A_111 = vector.shape_cast %select_n3A_110 : vector<64x128xf32> to vector<1x64x128xf32>
      %reduce_sum3A_112 = arith.constant dense<0.000000e+00> : vector<1xf32>
      %reduce_sum3A_113 = vector.multi_reduction <add>, %reduce_sum3A_111, %reduce_sum3A_112 [1, 2] : vector<1x64x128xf32> to vector<1xf32>
      %reduce_sum3A_114 = vector.shape_cast %reduce_sum3A_113 : vector<1xf32> to vector<1x1x1xf32>
      %reduce_sum3A_115 = vector.extract %reduce_sum3A_114[0, 0, 0] : f32 from vector<1x1x1xf32>
      %ge3A_116 = vector.broadcast %get3A_103 : i32 to vector<64x128xi32>
      %ge3A_117 = arith.cmpi sge, %add3A_80, %ge3A_116 : vector<64x128xi32>
      %lt3A_118 = vector.broadcast %get3A_105 : i32 to vector<64x128xi32>
      %lt3A_119 = arith.cmpi slt, %add3A_80, %lt3A_118 : vector<64x128xi32>
      %and3A_120 = arith.andi %ge3A_117, %lt3A_119 : vector<64x128xi1>
      %broadcast_in_dim3A_121 = vector.broadcast %reduce_sum3A_115 : f32 to vector<64x128xf32>
      %select_n3A_122 = arith.select %and3A_120, %broadcast_in_dim3A_121, %select_n3A_101 : vector<64x128xi1>, vector<64x128xf32>
      %get3A_123 = arith.constant 2 : index
      %get3A_124 = memref.load %arg8[%get3A_123] : memref<9xi32, #tpu.memory_space<smem>>
      %get3A_125 = arith.constant 3 : index
      %get3A_126 = memref.load %arg8[%get3A_125] : memref<9xi32, #tpu.memory_space<smem>>
      %lt3A_127 = vector.broadcast %get3A_126 : i32 to vector<64x128xi32>
      %lt3A_128 = arith.cmpi slt, %add3A_80, %lt3A_127 : vector<64x128xi32>
      %jit3A_129 = arith.constant 0.000000e+00 : f32
      %broadcast_in_dim3A_130 = vector.broadcast %jit3A_129 : f32 to vector<64x128xf32>
      %select_n3A_131 = arith.select %lt3A_128, %get3A_57, %broadcast_in_dim3A_130 : vector<64x128xi1>, vector<64x128xf32>
      %reduce_sum3A_132 = vector.shape_cast %select_n3A_131 : vector<64x128xf32> to vector<1x64x128xf32>
      %reduce_sum3A_133 = arith.constant dense<0.000000e+00> : vector<1xf32>
      %reduce_sum3A_134 = vector.multi_reduction <add>, %reduce_sum3A_132, %reduce_sum3A_133 [1, 2] : vector<1x64x128xf32> to vector<1xf32>
      %reduce_sum3A_135 = vector.shape_cast %reduce_sum3A_134 : vector<1xf32> to vector<1x1x1xf32>
      %reduce_sum3A_136 = vector.extract %reduce_sum3A_135[0, 0, 0] : f32 from vector<1x1x1xf32>
      %ge3A_137 = vector.broadcast %get3A_124 : i32 to vector<64x128xi32>
      %ge3A_138 = arith.cmpi sge, %add3A_80, %ge3A_137 : vector<64x128xi32>
      %lt3A_139 = vector.broadcast %get3A_126 : i32 to vector<64x128xi32>
      %lt3A_140 = arith.cmpi slt, %add3A_80, %lt3A_139 : vector<64x128xi32>
      %and3A_141 = arith.andi %ge3A_138, %lt3A_140 : vector<64x128xi1>
      %broadcast_in_dim3A_142 = vector.broadcast %reduce_sum3A_136 : f32 to vector<64x128xf32>
      %select_n3A_143 = arith.select %and3A_141, %broadcast_in_dim3A_142, %select_n3A_122 : vector<64x128xi1>, vector<64x128xf32>
      %get3A_144 = arith.constant 3 : index
      %get3A_145 = memref.load %arg8[%get3A_144] : memref<9xi32, #tpu.memory_space<smem>>
      %get3A_146 = arith.constant 4 : index
      %get3A_147 = memref.load %arg8[%get3A_146] : memref<9xi32, #tpu.memory_space<smem>>
      %lt3A_148 = vector.broadcast %get3A_147 : i32 to vector<64x128xi32>
      %lt3A_149 = arith.cmpi slt, %add3A_80, %lt3A_148 : vector<64x128xi32>
      %jit3A_150 = arith.constant 0.000000e+00 : f32
      %broadcast_in_dim3A_151 = vector.broadcast %jit3A_150 : f32 to vector<64x128xf32>
      %select_n3A_152 = arith.select %lt3A_149, %get3A_57, %broadcast_in_dim3A_151 : vector<64x128xi1>, vector<64x128xf32>
      %reduce_sum3A_153 = vector.shape_cast %select_n3A_152 : vector<64x128xf32> to vector<1x64x128xf32>
      %reduce_sum3A_154 = arith.constant dense<0.000000e+00> : vector<1xf32>
      %reduce_sum3A_155 = vector.multi_reduction <add>, %reduce_sum3A_153, %reduce_sum3A_154 [1, 2] : vector<1x64x128xf32> to vector<1xf32>
      %reduce_sum3A_156 = vector.shape_cast %reduce_sum3A_155 : vector<1xf32> to vector<1x1x1xf32>
      %reduce_sum3A_157 = vector.extract %reduce_sum3A_156[0, 0, 0] : f32 from vector<1x1x1xf32>
      %ge3A_158 = vector.broadcast %get3A_145 : i32 to vector<64x128xi32>
      %ge3A_159 = arith.cmpi sge, %add3A_80, %ge3A_158 : vector<64x128xi32>
      %lt3A_160 = vector.broadcast %get3A_147 : i32 to vector<64x128xi32>
      %lt3A_161 = arith.cmpi slt, %add3A_80, %lt3A_160 : vector<64x128xi32>
      %and3A_162 = arith.andi %ge3A_159, %lt3A_161 : vector<64x128xi1>
      %broadcast_in_dim3A_163 = vector.broadcast %reduce_sum3A_157 : f32 to vector<64x128xf32>
      %select_n3A_164 = arith.select %and3A_162, %broadcast_in_dim3A_163, %select_n3A_143 : vector<64x128xi1>, vector<64x128xf32>
      %get3A_165 = arith.constant 4 : index
      %get3A_166 = memref.load %arg8[%get3A_165] : memref<9xi32, #tpu.memory_space<smem>>
      %get3A_167 = arith.constant 5 : index
      %get3A_168 = memref.load %arg8[%get3A_167] : memref<9xi32, #tpu.memory_space<smem>>
      %lt3A_169 = vector.broadcast %get3A_168 : i32 to vector<64x128xi32>
      %lt3A_170 = arith.cmpi slt, %add3A_80, %lt3A_169 : vector<64x128xi32>
      %jit3A_171 = arith.constant 0.000000e+00 : f32
      %broadcast_in_dim3A_172 = vector.broadcast %jit3A_171 : f32 to vector<64x128xf32>
      %select_n3A_173 = arith.select %lt3A_170, %get3A_57, %broadcast_in_dim3A_172 : vector<64x128xi1>, vector<64x128xf32>
      %reduce_sum3A_174 = vector.shape_cast %select_n3A_173 : vector<64x128xf32> to vector<1x64x128xf32>
      %reduce_sum3A_175 = arith.constant dense<0.000000e+00> : vector<1xf32>
      %reduce_sum3A_176 = vector.multi_reduction <add>, %reduce_sum3A_174, %reduce_sum3A_175 [1, 2] : vector<1x64x128xf32> to vector<1xf32>
      %reduce_sum3A_177 = vector.shape_cast %reduce_sum3A_176 : vector<1xf32> to vector<1x1x1xf32>
      %reduce_sum3A_178 = vector.extract %reduce_sum3A_177[0, 0, 0] : f32 from vector<1x1x1xf32>
      %ge3A_179 = vector.broadcast %get3A_166 : i32 to vector<64x128xi32>
      %ge3A_180 = arith.cmpi sge, %add3A_80, %ge3A_179 : vector<64x128xi32>
      %lt3A_181 = vector.broadcast %get3A_168 : i32 to vector<64x128xi32>
      %lt3A_182 = arith.cmpi slt, %add3A_80, %lt3A_181 : vector<64x128xi32>
      %and3A_183 = arith.andi %ge3A_180, %lt3A_182 : vector<64x128xi1>
      %broadcast_in_dim3A_184 = vector.broadcast %reduce_sum3A_178 : f32 to vector<64x128xf32>
      %select_n3A_185 = arith.select %and3A_183, %broadcast_in_dim3A_184, %select_n3A_164 : vector<64x128xi1>, vector<64x128xf32>
      %get3A_186 = arith.constant 5 : index
      %get3A_187 = memref.load %arg8[%get3A_186] : memref<9xi32, #tpu.memory_space<smem>>
      %get3A_188 = arith.constant 6 : index
      %get3A_189 = memref.load %arg8[%get3A_188] : memref<9xi32, #tpu.memory_space<smem>>
      %lt3A_190 = vector.broadcast %get3A_189 : i32 to vector<64x128xi32>
      %lt3A_191 = arith.cmpi slt, %add3A_80, %lt3A_190 : vector<64x128xi32>
      %jit3A_192 = arith.constant 0.000000e+00 : f32
      %broadcast_in_dim3A_193 = vector.broadcast %jit3A_192 : f32 to vector<64x128xf32>
      %select_n3A_194 = arith.select %lt3A_191, %get3A_57, %broadcast_in_dim3A_193 : vector<64x128xi1>, vector<64x128xf32>
      %reduce_sum3A_195 = vector.shape_cast %select_n3A_194 : vector<64x128xf32> to vector<1x64x128xf32>
      %reduce_sum3A_196 = arith.constant dense<0.000000e+00> : vector<1xf32>
      %reduce_sum3A_197 = vector.multi_reduction <add>, %reduce_sum3A_195, %reduce_sum3A_196 [1, 2] : vector<1x64x128xf32> to vector<1xf32>
      %reduce_sum3A_198 = vector.shape_cast %reduce_sum3A_197 : vector<1xf32> to vector<1x1x1xf32>
      %reduce_sum3A_199 = vector.extract %reduce_sum3A_198[0, 0, 0] : f32 from vector<1x1x1xf32>
      %ge3A_200 = vector.broadcast %get3A_187 : i32 to vector<64x128xi32>
      %ge3A_201 = arith.cmpi sge, %add3A_80, %ge3A_200 : vector<64x128xi32>
      %lt3A_202 = vector.broadcast %get3A_189 : i32 to vector<64x128xi32>
      %lt3A_203 = arith.cmpi slt, %add3A_80, %lt3A_202 : vector<64x128xi32>
      %and3A_204 = arith.andi %ge3A_201, %lt3A_203 : vector<64x128xi1>
      %broadcast_in_dim3A_205 = vector.broadcast %reduce_sum3A_199 : f32 to vector<64x128xf32>
      %select_n3A_206 = arith.select %and3A_204, %broadcast_in_dim3A_205, %select_n3A_185 : vector<64x128xi1>, vector<64x128xf32>
      %get3A_207 = arith.constant 6 : index
      %get3A_208 = memref.load %arg8[%get3A_207] : memref<9xi32, #tpu.memory_space<smem>>
      %get3A_209 = arith.constant 7 : index
      %get3A_210 = memref.load %arg8[%get3A_209] : memref<9xi32, #tpu.memory_space<smem>>
      %lt3A_211 = vector.broadcast %get3A_210 : i32 to vector<64x128xi32>
      %lt3A_212 = arith.cmpi slt, %add3A_80, %lt3A_211 : vector<64x128xi32>
      %jit3A_213 = arith.constant 0.000000e+00 : f32
      %broadcast_in_dim3A_214 = vector.broadcast %jit3A_213 : f32 to vector<64x128xf32>
      %select_n3A_215 = arith.select %lt3A_212, %get3A_57, %broadcast_in_dim3A_214 : vector<64x128xi1>, vector<64x128xf32>
      %reduce_sum3A_216 = vector.shape_cast %select_n3A_215 : vector<64x128xf32> to vector<1x64x128xf32>
      %reduce_sum3A_217 = arith.constant dense<0.000000e+00> : vector<1xf32>
      %reduce_sum3A_218 = vector.multi_reduction <add>, %reduce_sum3A_216, %reduce_sum3A_217 [1, 2] : vector<1x64x128xf32> to vector<1xf32>
      %reduce_sum3A_219 = vector.shape_cast %reduce_sum3A_218 : vector<1xf32> to vector<1x1x1xf32>
      %reduce_sum3A_220 = vector.extract %reduce_sum3A_219[0, 0, 0] : f32 from vector<1x1x1xf32>
      %ge3A_221 = vector.broadcast %get3A_208 : i32 to vector<64x128xi32>
      %ge3A_222 = arith.cmpi sge, %add3A_80, %ge3A_221 : vector<64x128xi32>
      %lt3A_223 = vector.broadcast %get3A_210 : i32 to vector<64x128xi32>
      %lt3A_224 = arith.cmpi slt, %add3A_80, %lt3A_223 : vector<64x128xi32>
      %and3A_225 = arith.andi %ge3A_222, %lt3A_224 : vector<64x128xi1>
      %broadcast_in_dim3A_226 = vector.broadcast %reduce_sum3A_220 : f32 to vector<64x128xf32>
      %select_n3A_227 = arith.select %and3A_225, %broadcast_in_dim3A_226, %select_n3A_206 : vector<64x128xi1>, vector<64x128xf32>
      %get3A_228 = arith.constant 7 : index
      %get3A_229 = memref.load %arg8[%get3A_228] : memref<9xi32, #tpu.memory_space<smem>>
      %get3A_230 = arith.constant 8 : index
      %get3A_231 = memref.load %arg8[%get3A_230] : memref<9xi32, #tpu.memory_space<smem>>
      %lt3A_232 = vector.broadcast %get3A_231 : i32 to vector<64x128xi32>
      %lt3A_233 = arith.cmpi slt, %add3A_80, %lt3A_232 : vector<64x128xi32>
      %jit3A_234 = arith.constant 0.000000e+00 : f32
      %broadcast_in_dim3A_235 = vector.broadcast %jit3A_234 : f32 to vector<64x128xf32>
      %select_n3A_236 = arith.select %lt3A_233, %get3A_57, %broadcast_in_dim3A_235 : vector<64x128xi1>, vector<64x128xf32>
      %reduce_sum3A_237 = vector.shape_cast %select_n3A_236 : vector<64x128xf32> to vector<1x64x128xf32>
      %reduce_sum3A_238 = arith.constant dense<0.000000e+00> : vector<1xf32>
      %reduce_sum3A_239 = vector.multi_reduction <add>, %reduce_sum3A_237, %reduce_sum3A_238 [1, 2] : vector<1x64x128xf32> to vector<1xf32>
      %reduce_sum3A_240 = vector.shape_cast %reduce_sum3A_239 : vector<1xf32> to vector<1x1x1xf32>
      %reduce_sum3A_241 = vector.extract %reduce_sum3A_240[0, 0, 0] : f32 from vector<1x1x1xf32>
      %ge3A_242 = vector.broadcast %get3A_229 : i32 to vector<64x128xi32>
      %ge3A_243 = arith.cmpi sge, %add3A_80, %ge3A_242 : vector<64x128xi32>
      %lt3A_244 = vector.broadcast %get3A_231 : i32 to vector<64x128xi32>
      %lt3A_245 = arith.cmpi slt, %add3A_80, %lt3A_244 : vector<64x128xi32>
      %and3A_246 = arith.andi %ge3A_243, %lt3A_245 : vector<64x128xi1>
      %broadcast_in_dim3A_247 = vector.broadcast %reduce_sum3A_241 : f32 to vector<64x128xf32>
      %select_n3A_248 = arith.select %and3A_246, %broadcast_in_dim3A_247, %select_n3A_227 : vector<64x128xi1>, vector<64x128xf32>
      %sub3A_249 = arith.subf %select_n3A_248, %add3A_74 : vector<64x128xf32>
      %add3A_250 = arith.addf %sub3A_249, %get3A_57 : vector<64x128xf32>
      %swap3A_251 = arith.constant 0 : index
      %swap3A_252 = arith.constant 0 : index
      %swap3A_253 = vector.load %arg10[%swap3A_251, %swap3A_252] : memref<64x128xf32, #tpu.memory_space<vmem>>, vector<64x128xf32>
      tpu.vector_store %arg10[%swap3A_251, %swap3A_252], %add3A_250 {strides = array<i32>} : memref<64x128xf32, #tpu.memory_space<vmem>>, vector<64x128xf32>,
    } else {
    }
    %get3A = arith.constant 0 : index
    %get3A_2 = arith.constant 0 : index
    %get3A_3 = vector.load %arg1[%get3A, %get3A_2] : memref<1024x128xf32, #tpu.memory_space<vmem>>, vector<1024x128xf32>
    %convert_element_type3A_4 = arith.truncf %get3A_3 : vector<1024x128xf32> to vector<1024x128xbf16>
    %get3A_5 = arith.constant 0 : index
    %get3A_6 = arith.constant 0 : index
    %get3A_7 = vector.load %arg11[%get3A_5, %get3A_6] : memref<128x4096xbf16, #tpu.memory_space<vmem>>, vector<128x4096xbf16>
    %dot_general3A = arith.constant dense<0.000000e+00> : vector<1024x4096xf32>
    %dot_general3A_8 = tpu.matmul %convert_element_type3A_4, %get3A_7, %dot_general3A {dimension_numbers = #tpu.dot_dimension_numbers<[1], [0], [0], [1], [0, 0, 1, 1], [], []>, transpose_lhs_hint = false} : vector<1024x128xbf16>, vector<128x4096xbf16>, vector<1024x4096xf32> -> vector<1024x4096xf32>
    %exp23A = math.exp2 %dot_general3A_8 : vector<1024x4096xf32>
    %reduce_sum3A = arith.constant dense<0.000000e+00> : vector<1024xf32>
    %reduce_sum3A_9 = vector.multi_reduction <add>, %exp23A, %reduce_sum3A [1] : vector<1024x4096xf32> to vector<1024xf32>
    %broadcast_in_dim3A = vector.shape_cast %reduce_sum3A_9 : vector<1024xf32> to vector<1024x1xf32>
    %iota3A = tpu.iota {dimensions = array<i32: 1>} : vector<1024x4096xi32>
    %get3A_10 = arith.constant 0 : index
    %get3A_11 = arith.constant 0 : index
    %get3A_12 = vector.load %arg3[%get3A_10, %get3A_11] : memref<1024x1xi32, #tpu.memory_space<vmem>>, vector<1024x1xi32>
    %eq3A_13 = vector.broadcast %get3A_12 : vector<1024x1xi32> to vector<1024x4096xi32>
    %eq3A_14 = arith.cmpi eq, %iota3A, %eq3A_13 : vector<1024x4096xi32>
    %jit3A = arith.constant 0.000000e+00 : f32
    %broadcast_in_dim3A_15 = vector.broadcast %jit3A : f32 to vector<1024x4096xf32>
    %select_n3A = arith.select %eq3A_14, %dot_general3A_8, %broadcast_in_dim3A_15 : vector<1024x4096xi1>, vector<1024x4096xf32>
    %reduce_sum3A_16 = arith.constant dense<0.000000e+00> : vector<1024xf32>
    %reduce_sum3A_17 = vector.multi_reduction <add>, %select_n3A, %reduce_sum3A_16 [1] : vector<1024x4096xf32> to vector<1024xf32>
    %broadcast_in_dim3A_18 = vector.shape_cast %reduce_sum3A_17 : vector<1024xf32> to vector<1024x1xf32>
    %mul3A = arith.constant 0.693147182 : f32
    %mul3A_19 = vector.broadcast %mul3A : f32 to vector<1024x1xf32>
    %mul3A_20 = arith.mulf %broadcast_in_dim3A_18, %mul3A_19 : vector<1024x1xf32>
    %log3A = math.log %broadcast_in_dim3A : vector<1024x1xf32>
    %sub3A = arith.subf %mul3A_20, %log3A : vector<1024x1xf32>
    %swap3A = arith.constant 0 : index
    %swap3A_21 = arith.constant 0 : index
    %swap3A_22 = vector.load %arg9[%swap3A, %swap3A_21] : memref<1024x1xf32, #tpu.memory_space<vmem>>, vector<1024x1xf32>
    tpu.vector_store %arg9[%swap3A, %swap3A_21], %sub3A {strides = array<i32>} : memref<1024x1xf32, #tpu.memory_space<vmem>>, vector<1024x1xf32>,
    return
  }
  func.func @transform_0(%arg0: i32) -> (i32, i32) {
    %c0_i32 = arith.constant 0 : i32
    %c0_i32_0 = arith.constant 0 : i32
    return %arg0, %c0_i32 : i32, i32
  }
  func.func @transform_1(%arg0: i32) -> (i32, i32) {
    %c0_i32 = arith.constant 0 : i32
    %c0_i32_0 = arith.constant 0 : i32
    %c0_i32_1 = arith.constant 0 : i32
    return %c0_i32, %c0_i32_0 : i32, i32
  }
  func.func @transform_2(%arg0: i32) -> (i32, i32) {
    %c0_i32 = arith.constant 0 : i32
    %c0_i32_0 = arith.constant 0 : i32
    return %arg0, %c0_i32 : i32, i32
  }
  func.func @transform_3(%arg0: i32) -> (i32, i32) {
    %c0_i32 = arith.constant 0 : i32
    %c0_i32_0 = arith.constant 0 : i32
    %c0_i32_1 = arith.constant 0 : i32
    return %c0_i32, %c0_i32_0 : i32, i32
  }
  func.func @transform_4(%arg0: i32) -> (i32, i32) {
    %c0_i32 = arith.constant 0 : i32
    %c0_i32_0 = arith.constant 0 : i32
    %c0_i32_1 = arith.constant 0 : i32
    return %c0_i32, %c0_i32_0 : i32, i32
  }
  func.func @transform_5(%arg0: i32) -> (i32, i32) {
    %c0_i32 = arith.constant 0 : i32
    %c0_i32_0 = arith.constant 0 : i32
    %c0_i32_1 = arith.constant 0 : i32
    return %c0_i32, %c0_i32_0 : i32, i32
  }
  func.func @transform_6(%arg0: i32) -> (i32, i32) {
    %c0_i32 = arith.constant 0 : i32
    %c0_i32_0 = arith.constant 0 : i32
    %c0_i32_1 = arith.constant 0 : i32
    return %c0_i32, %c0_i32_0 : i32, i32
  }
  func.func @transform_7(%arg0: i32) -> i32 {
    %c0_i32 = arith.constant 0 : i32
    %c0_i32_0 = arith.constant 0 : i32
    return %c0_i32 : i32
  }
  func.func @transform_8(%arg0: i32) -> (i32, i32) {
    %c0_i32 = arith.constant 0 : i32
    %c0_i32_0 = arith.constant 0 : i32
    return %arg0, %c0_i32 : i32, i32
  }
  func.func @transform_9(%arg0: i32) -> (i32, i32) {
    %c0_i32 = arith.constant 0 : i32
    %c0_i32_0 = arith.constant 0 : i32
    %c0_i32_1 = arith.constant 0 : i32
    return %c0_i32, %c0_i32_0 : i32, i32
  }
}

</mosaic_0001>

<sc_bundles>
// kernel: kernel.4.cloned.1.call-start
scs
__scs_entry_jumppad:
0x0: {  	(pc) =	sbr.rel $0x88, $3  }
0x1: {  	(tag) =	ssettag $0x0;
	lr =	simm.s32 $0x1  }
0x2: {  	[smem:$0x3F99] =	sst lr;
	_ =	strace $0xD0000000  }
0x3: {  	_ = 	snop  }
0x4: {  	_ = 	snop  }
0x5: {  	_ = 	snop  }
0x6: {  	_ = 	snop  }
0x7: {  	_ = 	snop  }
__scs_overlays_trampoline_lowered:
0x8: {  	[smem:$0x3FA8] =	sst s0  }
0x9: {  	[smem:$0x3FA9] =	sst s1  }
0xa: {  	[smem:$0x3FAA] =	sst s2  }
0xb: {  	[smem:$0x3FAB] =	sst s3  }
0xc: {  	[smem:$0x3FAC] =	sst s4  }
0xd: {  	[smem:$0x3FAD] =	sst s5  }
0xe: {  	[smem:$0x3FAE] =	sst s6  }
0xf: {  	[smem:$0x3FAF] =	sst s7  }
0x10: {  	[smem:$0x3FB0] =	sst s8  }
0x11: {  	[smem:$0x3FB1] =	sst s9;
	s0 =	simm.s32 @!p0 $0x0  }
0x12: {  	s1 =	sld [smem:$0x3F97];
	s0 =	simm.s32 @p0 $0x1  }
0x13: {  	[smem:$0x3FB2] =	sst s0;
	s0 =	simm.s32 @!p1 $0x0  }
0x14: {  	s2 =	sld [smem:$0x3F96];
	s0 =	simm.s32 @p1 $0x1  }
0x15: {  	[smem:$0x3FB3] =	sst s0;
	s0 =	simm.s32 @!p2 $0x0  }
0x16: {  	s3 =	sld [smem:$0x3FDB];
	s0 =	simm.s32 @p2 $0x1  }
0x17: {  	s4 =	simm.s32 $0x1BF5;
	[smem:$0x3FB5] =	sst s0  }
0x18: {  	s0 =	sld [smem:$0x3F98];
	_ =	swait.ge [sflag:s4], $0x0  }
0x19: {  	s7 =	sld [smem:$0x3F99]  }
0x1a: {  	s8 =	sadd.s32 $0xFFFFE003, lr  }
0x1b: {  	s9 =	sadd.s32 $0xFFFFFEF7, lr;
	s5 =	simm.s32 $0xFFFFFFFF;
	p2 =	slt.u32 s8, $0xFFFFF086  }
0x1c: {  	p1 =	slt.u32 s9, $0xF7A;
	s5 =	simm.s32 @!p2 $0x0  }
0x1d: {  	s5 =	simm.s32 @p1 $0x1;
	p0 =	seq.s32 s7, s2  }
0x1e: {  	s7 =	smul.u32 @!p0 $0xF7A, s2;
	p2 =	seq.s32 @!p0 s5, $0x0  }
0x1f: {  	s9 =	smul.u32 $0xF7A, s1;
	s8 =	simm.s32 @!p0 $0x1BF5;
	p2 =	por !p2, p0  }
0x20: {  	[sflag:s8] =	ssyncset.s32 @!p0 $0xFFFFF086;
	s6 =	sadd.s32 @!p0 s3, s7;
	s7 =	simm.s32 @!p0 $0x108  }
0x21: {  	s3 =	sadd.s32 s3, s9;
	s6 =	sadd.s32 @!p0 $0x88, s6;
	s7 =	simm.s32 @p2 $0x1082  }
0x22: {  	[simem:s7], [sflag:s8] =	dma.local @!p0 [hbm:s6], $0xF7A  }
0x23: {  	s9 =	sor.u32 $0xD0000000, s2;
	s6 =	simm.s32 $0x108;
	_ =	swait.ge @!p0 [sflag:s8], $0x0  }
0x24: {  	s3 =	sadd.s32 $0x88, s3;
	s6 =	simm.s32 @!p1 $0x1082;
	[sflag:s4] =	ssyncset.s32 $0xFFFFF086  }
0x25: {  	[simem:s6], [sflag:s4] =	dma.local [hbm:s3], $0xF7A  }
0x26: {  	[smem:$0x3F99] =	sst s1;
	(tag) =	ssettag s2;
	_ =	strace s9  }
0x27: {  	s1 =	sld [smem:$0x3FA9]  }
0x28: {  	s2 =	sld [smem:$0x3FAA]  }
0x29: {  	s4 =	sld [smem:$0x3FAC]  }
0x2a: {  	p0 =	seq.s32 s5, $0x0;
	s5 =	sld [smem:$0x3FAD]  }
0x2b: {  	s6 =	sld [smem:$0x3FAE]  }
0x2c: {  	s7 =	sld [smem:$0x3FAF]  }
0x2d: {  	s3 =	simm.s32 $0x108;
	s8 =	sld [smem:$0x3FB0]  }
0x2e: {  	s3 =	simm.s32 @!p0 $0x1082;
	s9 =	sld [smem:$0x3FB1]  }
0x2f: {  	lr =	sadd.s32 s0, s3;
	s0 =	sld [smem:$0x3FA8]  }
0x30: {  	s3 =	sld [smem:$0x3FAB]  }
0x31: {  	[smem:$0x3FB4] =	sst s10  }
0x32: {  	s10 =	sld [smem:$0x3FB2];
	_ =	sdelay $0x3  }
0x33: {  	p0 =	seq.s32 s10, $0x1;
	s10 =	sld [smem:$0x3FB4];
	_ =	sdelay $0x3  }
0x34: {  	[smem:$0x3FB4] =	sst s10  }
0x35: {  	s10 =	sld [smem:$0x3FB3];
	_ =	sdelay $0x3  }
0x36: {  	p1 =	seq.s32 s10, $0x1;
	s10 =	sld [smem:$0x3FB4];
	_ =	sdelay $0x3  }
0x37: {  	[smem:$0x3FB4] =	sst s10  }
0x38: {  	s10 =	sld [smem:$0x3FB5]  }
0x39: {  	_ = 	snop;
	(pc) =	sbr.ind lr, $3  }
0x3a: {  	_ = 	snop  }
0x3b: {  	_ = 	snop  }
0x3c: {  	p2 =	seq.s32 s10, $0x1;
	s10 =	sld [smem:$0x3FB4]  }
0x3d: {  	_ =	shalt  }
0x3e: {  	_ =	shalt  }
0x3f: {  	_ =	shalt  }
0x40: {  	_ =	shalt  }
0x41: {  	_ =	shalt  }
0x42: {  	_ =	shalt  }
0x43: {  	_ =	shalt  }
0x44: {  	_ =	shalt  }
0x45: {  	_ =	shalt  }
0x46: {  	_ =	shalt  }
0x47: {  	_ =	shalt  }
0x48: {  	_ =	shalt  }
0x49: {  	_ =	shalt  }
0x4a: {  	_ =	shalt  }
0x4b: {  	_ =	shalt  }
0x4c: {  	_ =	shalt  }
0x4d: {  	_ =	shalt  }
0x4e: {  	_ =	shalt  }
0x4f: {  	_ =	shalt  }
0x50: {  	_ =	shalt  }
0x51: {  	_ =	shalt  }
0x52: {  	_ =	shalt  }
0x53: {  	_ =	shalt  }
0x54: {  	_ =	shalt  }
0x55: {  	_ =	shalt  }
0x56: {  	_ =	shalt  }
0x57: {  	_ =	shalt  }
0x58: {  	_ =	shalt  }
0x59: {  	_ =	shalt  }
0x5a: {  	_ =	shalt  }
0x5b: {  	_ =	shalt  }
0x5c: {  	_ =	shalt  }
0x5d: {  	_ =	shalt  }
0x5e: {  	_ =	shalt  }
0x5f: {  	_ =	shalt  }
0x60: {  	_ =	shalt  }
0x61: {  	_ =	shalt  }
0x62: {  	_ =	shalt  }
0x63: {  	_ =	shalt  }
0x64: {  	_ =	shalt  }
0x65: {  	_ =	shalt  }
0x66: {  	_ =	shalt  }
0x67: {  	_ =	shalt  }
0x68: {  	_ =	shalt  }
0x69: {  	_ =	shalt  }
0x6a: {  	_ =	shalt  }
0x6b: {  	_ =	shalt  }
0x6c: {  	_ =	shalt  }
0x6d: {  	_ =	shalt  }
0x6e: {  	_ =	shalt  }
0x6f: {  	_ =	shalt  }
0x70: {  	_ =	shalt  }
0x71: {  	_ =	shalt  }
0x72: {  	_ =	shalt  }
0x73: {  	_ =	shalt  }
0x74: {  	_ =	shalt  }
0x75: {  	_ =	shalt  }
0x76: {  	_ =	shalt  }
0x77: {  	_ =	shalt  }
0x78: {  	_ =	shalt  }
0x79: {  	_ =	shalt  }
0x7a: {  	_ =	shalt  }
0x7b: {  	_ =	shalt  }
0x7c: {  	_ =	shalt  }
0x7d: {  	_ =	shalt  }
0x7e: {  	_ =	shalt  }
0x7f: {  	_ =	shalt  }
0x80: {  	_ =	shalt  }
0x81: {  	_ =	shalt  }
0x82: {  	_ =	shalt  }
0x83: {  	_ =	shalt  }
0x84: {  	_ =	shalt  }
0x85: {  	_ =	shalt  }
0x86: {  	_ =	shalt  }
0x87: {  	_ =	shalt  }
.Lfunc_end0:
.L_simem_size_0:
called_computation_lowered:
.L_overlay_start_0:
0x88: {  	s2 =	sld [smem:$0x3FD9]  }
0x89: {  	s3 =	sld [smem:$0x3FFE];
	_ =	sdelay $0x1  }
0x8a: {  	s1 =	srdreg.scid  }
0x8b: {  	s0 =	sand.u32 $0x1, s1  }
0x8c: {  	s14 =	sshll.u32 s0, $0xA;
	s2 =	sadd.s32 s3, s2  }
0x8d: {  	s2 =	sadd.s32 s2, s14  }
0x8e: {  	[smem:$0x3FC0] =	sst s2  }
0x8f: {  	_ = 	snop  }
0x90: {  	s2 =	sld [smem:$0x3FD0];
	_ =	sdelay $0x2  }
0x91: {  	s4 =	simm.s32 $0xA;
	s5 =	simm.s32 $0x10;
	s15 =	sld [smem:$0x3FC9]  }
0x92: {  	[smem:s5], [sflag:s4] =	dma.local [hbm:s2], $0x1  }
0x93: {  	_ =	swait.eq [sflag:s4], $0x1  }
0x94: {  	[sflag:s4] =	ssyncset.done $0x0  }
0x95: {  	s16 =	sld [smem:$0x10];
	[sflag:s4] =	ssyncadd.s32 $0xFFFFFFFF  }
0x96: {  	s17 =	sld [smem:$0x11];
	(tm) =	ssettm $0x1  }
0x97: {  	s18 =	sld [smem:$0x3FFB];
	_ =	sdelay $0x3  }
0x98: {  	_ =	strace s18  }
0x99: {  	s5 =	sld [smem:$0x3FFC];
	_ =	sdelay $0x3  }
0x9a: {  	_ =	strace s5  }
0x9b: {  	s5 =	sld [smem:$0x3FFD];
	_ =	sdelay $0x3  }
0x9c: {  	_ =	strace s5  }
0x9d: {  	_ =	strace $0x8FFFFFFF  }
0x9e: {  	s19 =	sld [smem:$0x3FDB];
	_ =	sdelay $0x1  }
0x9f: {  	s6 =	simm.s32 $_scs_section_size  }
0xa0: {  	s7 =	simm.s32 $_size__tile_overlayer_lowered;
	s8 =	simm.s32 $_tile_overlayer_lowered  }
0xa1: {  	s22 =	simm.s32 $0x1BFF;
	s21 =	sshll.u32 s8, $0x1;
	s5 =	sadd.s32 s6, s19  }
0xa2: {  	s9 =	simm.s32 $0x0;
	s20 =	sshll.u32 s7, $0x1;
	s7 =	sadd.s32 s21, s5  }
0xa3: {  	[timem:s9], [sflag:s22] =	dma.local [hbm:s7], s20  }
0xa4: {  	_ =	swait.ge [sflag:s22], s20  }
0xa5: {  	s6 =	ssub.s32 $0x0, s20;
	[sflag:s22] =	ssyncset.done $0x0  }
0xa6: {  	[sflag:s22] =	ssyncadd.s32 s6;
	_ =	sdelay $0x1  }
0xa7: {  	s23 =	simm.s32 $0x1B8B  }
0xa8: {  	_ =	swait.ge [sflag:s23], $0x1  }
0xa9: {  	[sflag:s23] =	ssyncset.done $0x0  }
0xaa: {  	s25 =	simm.s32 $0x1B8E;
	s24 =	sld [smem:$0x3FFE];
	[sflag:s23] =	ssyncadd.s32 $0xFFFFFFFF  }
0xab: {  	s26 =	simm.s32 $execute0_lowered;
	[smem:$0x3FD2] =	sst s25  }
0xac: {  	s7 =	sshll.u32 s26, $0x1;
	_ =	strace $0x80000046;
	[dreg:$0x1] =	wrdreg $0xFFFFFFFF  }
0xad: {  	s28 =	simm.s32 $_size_execute0_lowered;
	s5 =	sadd.s32 s5, s7;
	[dreg:$0x0] =	wrdreg $0x0  }
0xae: {  	s7 =	sshll.u32 s28, $0x1;
	[dreg:$0x2] =	wrdreg s5  }
0xaf: {  	[dreg:$0x3] =	wrdreg s7  }
0xb0: {  	[dreg:$0x4] =	wrdreg $0xC0  }
0xb1: {  	_ =	task [dreg:s9], $0x5FFFF  }
0xb2: {  	[dreg:$0x1] =	wrdreg $0xFFFFFFFF  }
0xb3: {  	[dreg:$0x0] =	wrdreg $0x60  }
0xb4: {  	[dreg:$0x2] =	wrdreg s15  }
0xb5: {  	[dreg:$0x3] =	wrdreg s16  }
0xb6: {  	[dreg:$0x4] =	wrdreg s24  }
0xb7: {  	[dreg:$0x5] =	wrdreg s17  }
0xb8: {  	[dreg:$0x6] =	wrdreg $0x9  }
0xb9: {  	_ =	task.clear_ibuf [dreg:s9], $0x7FFFF;
	_ =	strace $0x90000046  }
0xba: {  	s29 =	simm.s32 $0x9;
	_ =	strace $0x80000048  }
0xbb: {  	_ =	swait.ge [sflag:s29], $0x1  }
0xbc: {  	[sflag:s29] =	ssyncadd.s32 $0xFFFFFFFF  }
0xbd: {  	_ =	strace $0x90000048  }
0xbe: {  	_ =	sfence  }
0xbf: {  	s30 =	sld [smem:$0x0];
	_ =	sdelay $0x2  }
0xc0: {  	s31 =	sshll.u32 s1, $0xD;
	s1 =	sshrl.u32 s1, $0x2  }
0xc1: {  	s3 =	sand.u32 $0x4000, s31;
	s1 =	sadd.s32 s1, s30  }
0xc2: {  	s0 =	sor.u32 s3, s0;
	s1 =	sshll.u32 s1, $0x11  }
0xc3: {  	s0 =	sor.u32 s1, s0  }
0xc4: {  	s0 =	sadd.s32 $0x8F2B, s0  }
0xc5: {  	[sflag:s0] =	ssyncadd.remote.s32 $0x1  }
0xc6: {  	_ =	sfence.sel $0xFFFF  }
0xc7: {  	[dreg:$0x0] =	wrdreg $0xFFFFFFFF;
	(pc) =	sbr.abs _section_cstart, $3  }
0xc8: {  	[dreg:$0x1] =	wrdreg $0xFFFFFFFF  }
0xc9: {  	_ =	task.clear_ibuf [dreg:s9], $0x2FFFF;
	_ =	strace $0x9FFFFFFF  }
0xca: {  	(tm) =	ssettm $0x7FFFFFFF  }
0xcb: {  	_ =	shalt  }
tec
execute0_lowered:
.L_overlay_start_1:
0x0: {  	(tag) =	ssettag $0x1  }
0x1: {  	s5 =	rddreg [dreg:$0x0]  }
0x2: {  	s1 =	rddreg [dreg:$0x1]  }
0x3: {  	s6 =	rddreg [dreg:$0x2]  }
0x4: {  	s3 =	rddreg [dreg:$0x3];
	s4 =	srdreg.scid  }
0x5: {  	s0 =	rddreg [dreg:$0x4];
	s2 =	stileid.u32;
	s7 =	sand.u32 $0x1, s4  }
0x6: {  	s4 =	simm.s32 $0x0;
	s8 =	sshll.u32 s2, $0x9;
	s9 =	sshll.u32 s7, $0x8  }
0x7: {  	[smem:$0x7FF] =	sst s4;
	s31 =	ssub.s32 $0x2, s7;
	s12 =	sor.u32 s2, s7  }
0x8: {  	s8 =	sor.u32 s9, s8;
	_ =	strace $0x80000047;
	s11 =	sshrl.u32 s31, $0x1  }
0x9: {  	p0 =	sne.s32 s12, $0x0;
	s12 =	simm.s32 $0x0;
	s10 =	sshll.u32 s8, $0x4  }
0xa: {  	s9 =	ssub.s32 s31, s11;
	s5 =	sadd.s32 s5, s8;
	s8 =	simm.s32 $0x800  }
0xb: {  	v1 =	vlaneseq.u32;
	s11 =	simm.s32 $0x4000;
	s6 =	sadd.s32 s10, s6;
	s7 =	smax.u32 s9, $0x1  }
0xc: {  	v0 =	vimm.f32 $0.0e+00;
	v2 =	vimm.f32 $1.000000000e+00;
	v1 =	vmul.u32 $0x80, v1;
	s9 =	simm.s32 $0x10000;
	s10 =	simm.s32 $0x1;
	s6 =	sadd.s32 $0x1600, s6  }
.LBB2_1:
0xd: {  	[tilespmem:s4], [sflag:$0x1] =	stream.strided.gather [hbm4b:s5+s8], $0x4000, s9, s8, $0x38;
	[tilespmem:$0xC100] =	vst v63  }
0xe: {  	_ =	swait.ge [sflag:s10], $0x4000  }
0xf: {  	[sflag:s10] =	ssyncset.done $0x0  }
0x10: {  	s13 =	simm.s32 $0x0;
	s14 =	simm.s32 $0x200;
	[sflag:s10] =	ssyncadd.s32 $0xFFFFC000  }
.LBB2_2:
0x11: {  	p1 =	sne.s32 s14, $0x1FE00;
	[tilespmem:s13+$0x4070] =	vst v0  }
0x12: {  	[tilespmem:s13+$0x4000] =	vst v0  }
0x13: {  	[tilespmem:s13+$0x4010] =	vst v0  }
.Ltmp0:
0x14: {  	[tilespmem:s13+$0x4020] =	vst v0;
	(pc) =	sbr.rel @p1 .LBB2_2-.Ltmp0, $4  }
0x15: {  	[tilespmem:s13+$0x4030] =	vst v0  }
0x16: {  	[tilespmem:s13+$0x4040] =	vst v0  }
0x17: {  	[tilespmem:s13+$0x4050] =	vst v0  }
0x18: {  	[tilespmem:s13+$0x4060] =	vst v0;
	s13 =	sshra.s32 s14, $0x2;
	s14 =	sadd.s32 $0x200, s14  }
0x19: {  	[tilespmem:s13+$0x4070] =	vst v0  }
0x1a: {  	[tilespmem:s13+$0x4000] =	vst v0  }
0x1b: {  	[tilespmem:s13+$0x4010] =	vst v0  }
0x1c: {  	[tilespmem:s13+$0x4020] =	vst v0  }
0x1d: {  	[tilespmem:s13+$0x4030] =	vst v0  }
0x1e: {  	[tilespmem:s13+$0x4040] =	vst v0  }
0x1f: {  	[tilespmem:s13+$0x4050] =	vst v0  }
0x20: {  	[tilespmem:s13+$0x4060] =	vst v0;
	s13 =	simm.s32 $0x0;
	s14 =	simm.s32 $0x0  }
.LBB2_4:
0x21: {  	s15 =	sand.u32 $0x70, s14;
	s16 =	sand.u32 $0x400, s13  }
0x22: {  	s15 =	sor.u32 s15, s16  }
0x23: {  	v4 =	vld [tilespmem:s15+$0x0];
	_ =	sdelay $0x2  }
0x24: {  	v3 =	vmov s14  }
0x25: {  	v3 =	vshll.u32 v3, $0x7  }
0x26: {  	v3 =	vor.u32 v1, v3;
	v5 =	vand.u32 $0xFFFFFF80, v4  }
0x27: {  	v4 =	vand.u32 $0x7F, v4;
	v5 =	vadd.s32 v3, v5  }
0x28: {  	v4 =	vor.u32 v4, v5;
	_ =	sdelay $0x4  }
0x29: {  	[tilespmem:v4+s11+$0x0] =	vst.idx.add.f32.msk $0xffff, v2  }
0x2a: {  	v4 =	vld [tilespmem:s15+$0x80];
	_ =	sdelay $0x4  }
0x2b: {  	v57 =	vand.u32 $0xFFFFFF80, v4  }
0x2c: {  	v4 =	vand.u32 $0x7F, v4;
	v5 =	vadd.s32 v3, v57  }
0x2d: {  	v4 =	vor.u32 v4, v5;
	_ =	sdelay $0x4  }
0x2e: {  	[tilespmem:v4+s11+$0x0] =	vst.idx.add.f32.msk $0xffff, v2  }
0x2f: {  	v4 =	vld [tilespmem:s15+$0x100];
	_ =	sdelay $0x4  }
0x30: {  	v58 =	vand.u32 $0xFFFFFF80, v4  }
0x31: {  	v4 =	vand.u32 $0x7F, v4;
	v5 =	vadd.s32 v3, v58  }
0x32: {  	v4 =	vor.u32 v4, v5;
	_ =	sdelay $0x4  }
0x33: {  	[tilespmem:v4+s11+$0x0] =	vst.idx.add.f32.msk $0xffff, v2  }
0x34: {  	v4 =	vld [tilespmem:s15+$0x180];
	_ =	sdelay $0x4  }
0x35: {  	v59 =	vand.u32 $0xFFFFFF80, v4  }
0x36: {  	v4 =	vand.u32 $0x7F, v4;
	v5 =	vadd.s32 v3, v59  }
0x37: {  	v4 =	vor.u32 v4, v5;
	_ =	sdelay $0x4  }
0x38: {  	[tilespmem:v4+s11+$0x0] =	vst.idx.add.f32.msk $0xffff, v2  }
0x39: {  	v4 =	vld [tilespmem:s15+$0x200];
	_ =	sdelay $0x4  }
0x3a: {  	v60 =	vand.u32 $0xFFFFFF80, v4  }
0x3b: {  	v4 =	vand.u32 $0x7F, v4;
	v5 =	vadd.s32 v3, v60  }
0x3c: {  	v4 =	vor.u32 v4, v5;
	_ =	sdelay $0x4  }
0x3d: {  	[tilespmem:v4+s11+$0x0] =	vst.idx.add.f32.msk $0xffff, v2  }
0x3e: {  	v4 =	vld [tilespmem:s15+$0x280];
	_ =	sdelay $0x4  }
0x3f: {  	v61 =	vand.u32 $0xFFFFFF80, v4  }
0x40: {  	v4 =	vand.u32 $0x7F, v4;
	v5 =	vadd.s32 v3, v61  }
0x41: {  	v4 =	vor.u32 v4, v5;
	_ =	sdelay $0x4  }
0x42: {  	[tilespmem:v4+s11+$0x0] =	vst.idx.add.f32.msk $0xffff, v2  }
0x43: {  	v4 =	vld [tilespmem:s15+$0x300];
	_ =	sdelay $0x4  }
0x44: {  	v62 =	vand.u32 $0xFFFFFF80, v4  }
0x45: {  	v4 =	vand.u32 $0x7F, v4;
	v5 =	vadd.s32 v3, v62  }
0x46: {  	v4 =	vor.u32 v4, v5;
	_ =	sdelay $0x3  }
0x47: {  	s31 =	sor.u32 s13, s14  }
0x48: {  	s16 =	sor.u32 $0x380, s31;
	[tilespmem:v4+s11+$0x0] =	vst.idx.add.f32.msk $0xffff, v2  }
0x49: {  	v4 =	vld [tilespmem:s16+$0x0];
	_ =	sdelay $0x4  }
0x4a: {  	v63 =	vand.u32 $0xFFFFFF80, v4  }
0x4b: {  	v4 =	vand.u32 $0x7F, v4;
	v5 =	vadd.s32 v3, v63  }
0x4c: {  	v4 =	vor.u32 v4, v5;
	_ =	sdelay $0x4  }
0x4d: {  	[tilespmem:v4+s11+$0x0] =	vst.idx.add.f32.msk $0xffff, v2  }
0x4e: {  	v4 =	vld [tilespmem:s15+$0x800];
	_ =	sdelay $0x4  }
0x4f: {  	v8 =	vand.u32 $0xFFFFFF80, v4  }
0x50: {  	v4 =	vand.u32 $0x7F, v4;
	v5 =	vadd.s32 v3, v8  }
0x51: {  	v4 =	vor.u32 v4, v5;
	_ =	sdelay $0x4  }
0x52: {  	[tilespmem:v4+s11+$0x0] =	vst.idx.add.f32.msk $0xffff, v2  }
0x53: {  	v4 =	vld [tilespmem:s15+$0x880];
	_ =	sdelay $0x4  }
0x54: {  	v9 =	vand.u32 $0xFFFFFF80, v4  }
0x55: {  	v4 =	vand.u32 $0x7F, v4;
	v5 =	vadd.s32 v3, v9  }
0x56: {  	v4 =	vor.u32 v4, v5;
	_ =	sdelay $0x4  }
0x57: {  	[tilespmem:v4+s11+$0x0] =	vst.idx.add.f32.msk $0xffff, v2  }
0x58: {  	v4 =	vld [tilespmem:s15+$0x900];
	_ =	sdelay $0x4  }
0x59: {  	v10 =	vand.u32 $0xFFFFFF80, v4  }
0x5a: {  	v4 =	vand.u32 $0x7F, v4;
	v5 =	vadd.s32 v3, v10  }
0x5b: {  	v4 =	vor.u32 v4, v5;
	_ =	sdelay $0x4  }
0x5c: {  	[tilespmem:v4+s11+$0x0] =	vst.idx.add.f32.msk $0xffff, v2  }
0x5d: {  	v4 =	vld [tilespmem:s15+$0x980];
	_ =	sdelay $0x4  }
0x5e: {  	v11 =	vand.u32 $0xFFFFFF80, v4  }
0x5f: {  	v4 =	vand.u32 $0x7F, v4;
	v5 =	vadd.s32 v3, v11  }
0x60: {  	v4 =	vor.u32 v4, v5;
	_ =	sdelay $0x4  }
0x61: {  	[tilespmem:v4+s11+$0x0] =	vst.idx.add.f32.msk $0xffff, v2  }
0x62: {  	v4 =	vld [tilespmem:s15+$0xA00];
	_ =	sdelay $0x4  }
0x63: {  	v12 =	vand.u32 $0xFFFFFF80, v4  }
0x64: {  	v4 =	vand.u32 $0x7F, v4;
	v5 =	vadd.s32 v3, v12  }
0x65: {  	v4 =	vor.u32 v4, v5;
	_ =	sdelay $0x4  }
0x66: {  	[tilespmem:v4+s11+$0x0] =	vst.idx.add.f32.msk $0xffff, v2  }
0x67: {  	v4 =	vld [tilespmem:s15+$0xA80];
	_ =	sdelay $0x4  }
0x68: {  	v13 =	vand.u32 $0xFFFFFF80, v4  }
0x69: {  	v4 =	vand.u32 $0x7F, v4;
	v5 =	vadd.s32 v3, v13  }
0x6a: {  	v4 =	vor.u32 v4, v5;
	_ =	sdelay $0x4  }
0x6b: {  	[tilespmem:v4+s11+$0x0] =	vst.idx.add.f32.msk $0xffff, v2  }
0x6c: {  	v4 =	vld [tilespmem:s15+$0xB00];
	_ =	sdelay $0x4  }
0x6d: {  	v14 =	vand.u32 $0xFFFFFF80, v4  }
0x6e: {  	v4 =	vand.u32 $0x7F, v4;
	v5 =	vadd.s32 v3, v14  }
0x6f: {  	v4 =	vor.u32 v4, v5;
	_ =	sdelay $0x4  }
0x70: {  	[tilespmem:v4+s11+$0x0] =	vst.idx.add.f32.msk $0xffff, v2  }
0x71: {  	v4 =	vld [tilespmem:s15+$0xB80];
	_ =	sdelay $0x4  }
0x72: {  	v15 =	vand.u32 $0xFFFFFF80, v4  }
0x73: {  	v4 =	vand.u32 $0x7F, v4;
	v5 =	vadd.s32 v3, v15  }
0x74: {  	v4 =	vor.u32 v4, v5;
	_ =	sdelay $0x4  }
0x75: {  	[tilespmem:v4+s11+$0x0] =	vst.idx.add.f32.msk $0xffff, v2  }
0x76: {  	v4 =	vld [tilespmem:s15+$0x1000];
	_ =	sdelay $0x4  }
0x77: {  	v16 =	vand.u32 $0xFFFFFF80, v4  }
0x78: {  	v4 =	vand.u32 $0x7F, v4;
	v5 =	vadd.s32 v3, v16  }
0x79: {  	v4 =	vor.u32 v4, v5;
	_ =	sdelay $0x4  }
0x7a: {  	[tilespmem:v4+s11+$0x0] =	vst.idx.add.f32.msk $0xffff, v2  }
0x7b: {  	v4 =	vld [tilespmem:s15+$0x1080];
	_ =	sdelay $0x4  }
0x7c: {  	v17 =	vand.u32 $0xFFFFFF80, v4  }
0x7d: {  	v4 =	vand.u32 $0x7F, v4;
	v5 =	vadd.s32 v3, v17  }
0x7e: {  	v4 =	vor.u32 v4, v5;
	_ =	sdelay $0x4  }
0x7f: {  	[tilespmem:v4+s11+$0x0] =	vst.idx.add.f32.msk $0xffff, v2  }
0x80: {  	v4 =	vld [tilespmem:s15+$0x1100];
	_ =	sdelay $0x4  }
0x81: {  	v18 =	vand.u32 $0xFFFFFF80, v4  }
0x82: {  	v4 =	vand.u32 $0x7F, v4;
	v5 =	vadd.s32 v3, v18  }
0x83: {  	v4 =	vor.u32 v4, v5;
	_ =	sdelay $0x4  }
0x84: {  	[tilespmem:v4+s11+$0x0] =	vst.idx.add.f32.msk $0xffff, v2  }
0x85: {  	v4 =	vld [tilespmem:s15+$0x1180];
	_ =	sdelay $0x4  }
0x86: {  	v19 =	vand.u32 $0xFFFFFF80, v4  }
0x87: {  	v4 =	vand.u32 $0x7F, v4;
	v5 =	vadd.s32 v3, v19  }
0x88: {  	v4 =	vor.u32 v4, v5;
	_ =	sdelay $0x4  }
0x89: {  	[tilespmem:v4+s11+$0x0] =	vst.idx.add.f32.msk $0xffff, v2  }
0x8a: {  	v4 =	vld [tilespmem:s15+$0x1200];
	_ =	sdelay $0x4  }
0x8b: {  	v20 =	vand.u32 $0xFFFFFF80, v4  }
0x8c: {  	v4 =	vand.u32 $0x7F, v4;
	v5 =	vadd.s32 v3, v20  }
0x8d: {  	v4 =	vor.u32 v4, v5;
	_ =	sdelay $0x4  }
0x8e: {  	[tilespmem:v4+s11+$0x0] =	vst.idx.add.f32.msk $0xffff, v2  }
0x8f: {  	v4 =	vld [tilespmem:s15+$0x1280];
	_ =	sdelay $0x4  }
0x90: {  	v21 =	vand.u32 $0xFFFFFF80, v4  }
0x91: {  	v4 =	vand.u32 $0x7F, v4;
	v5 =	vadd.s32 v3, v21  }
0x92: {  	v4 =	vor.u32 v4, v5;
	_ =	sdelay $0x4  }
0x93: {  	[tilespmem:v4+s11+$0x0] =	vst.idx.add.f32.msk $0xffff, v2  }
0x94: {  	v4 =	vld [tilespmem:s15+$0x1300];
	_ =	sdelay $0x4  }
0x95: {  	v22 =	vand.u32 $0xFFFFFF80, v4  }
0x96: {  	v4 =	vand.u32 $0x7F, v4;
	v5 =	vadd.s32 v3, v22  }
0x97: {  	v4 =	vor.u32 v4, v5;
	_ =	sdelay $0x4  }
0x98: {  	[tilespmem:v4+s11+$0x0] =	vst.idx.add.f32.msk $0xffff, v2  }
0x99: {  	v4 =	vld [tilespmem:s15+$0x1380];
	_ =	sdelay $0x4  }
0x9a: {  	v23 =	vand.u32 $0xFFFFFF80, v4  }
0x9b: {  	v4 =	vand.u32 $0x7F, v4;
	v5 =	vadd.s32 v3, v23  }
0x9c: {  	v4 =	vor.u32 v4, v5;
	_ =	sdelay $0x4  }
0x9d: {  	[tilespmem:v4+s11+$0x0] =	vst.idx.add.f32.msk $0xffff, v2  }
0x9e: {  	v4 =	vld [tilespmem:s15+$0x1800];
	_ =	sdelay $0x4  }
0x9f: {  	v24 =	vand.u32 $0xFFFFFF80, v4  }
0xa0: {  	v4 =	vand.u32 $0x7F, v4;
	v5 =	vadd.s32 v3, v24  }
0xa1: {  	v4 =	vor.u32 v4, v5;
	_ =	sdelay $0x4  }
0xa2: {  	[tilespmem:v4+s11+$0x0] =	vst.idx.add.f32.msk $0xffff, v2  }
0xa3: {  	v4 =	vld [tilespmem:s15+$0x1880];
	_ =	sdelay $0x4  }
0xa4: {  	v25 =	vand.u32 $0xFFFFFF80, v4  }
0xa5: {  	v4 =	vand.u32 $0x7F, v4;
	v5 =	vadd.s32 v3, v25  }
0xa6: {  	v4 =	vor.u32 v4, v5;
	_ =	sdelay $0x4  }
0xa7: {  	[tilespmem:v4+s11+$0x0] =	vst.idx.add.f32.msk $0xffff, v2  }
0xa8: {  	v4 =	vld [tilespmem:s15+$0x1900];
	_ =	sdelay $0x4  }
0xa9: {  	v26 =	vand.u32 $0xFFFFFF80, v4  }
0xaa: {  	v4 =	vand.u32 $0x7F, v4;
	v5 =	vadd.s32 v3, v26  }
0xab: {  	v4 =	vor.u32 v4, v5;
	_ =	sdelay $0x4  }
0xac: {  	[tilespmem:v4+s11+$0x0] =	vst.idx.add.f32.msk $0xffff, v2  }
0xad: {  	v4 =	vld [tilespmem:s15+$0x1980];
	_ =	sdelay $0x4  }
0xae: {  	v27 =	vand.u32 $0xFFFFFF80, v4  }
0xaf: {  	v4 =	vand.u32 $0x7F, v4;
	v5 =	vadd.s32 v3, v27  }
0xb0: {  	v4 =	vor.u32 v4, v5;
	_ =	sdelay $0x4  }
0xb1: {  	[tilespmem:v4+s11+$0x0] =	vst.idx.add.f32.msk $0xffff, v2  }
0xb2: {  	v4 =	vld [tilespmem:s15+$0x1A00];
	_ =	sdelay $0x4  }
0xb3: {  	v28 =	vand.u32 $0xFFFFFF80, v4  }
0xb4: {  	v4 =	vand.u32 $0x7F, v4;
	v5 =	vadd.s32 v3, v28  }
0xb5: {  	v4 =	vor.u32 v4, v5;
	_ =	sdelay $0x4  }
0xb6: {  	[tilespmem:v4+s11+$0x0] =	vst.idx.add.f32.msk $0xffff, v2  }
0xb7: {  	v4 =	vld [tilespmem:s15+$0x1A80];
	_ =	sdelay $0x4  }
0xb8: {  	v29 =	vand.u32 $0xFFFFFF80, v4  }
0xb9: {  	v4 =	vand.u32 $0x7F, v4;
	v5 =	vadd.s32 v3, v29  }
0xba: {  	v4 =	vor.u32 v4, v5;
	_ =	sdelay $0x4  }
0xbb: {  	[tilespmem:v4+s11+$0x0] =	vst.idx.add.f32.msk $0xffff, v2  }
0xbc: {  	v4 =	vld [tilespmem:s15+$0x1B00];
	_ =	sdelay $0x4  }
0xbd: {  	v30 =	vand.u32 $0xFFFFFF80, v4  }
0xbe: {  	v4 =	vand.u32 $0x7F, v4;
	v5 =	vadd.s32 v3, v30  }
0xbf: {  	v4 =	vor.u32 v4, v5;
	_ =	sdelay $0x4  }
0xc0: {  	[tilespmem:v4+s11+$0x0] =	vst.idx.add.f32.msk $0xffff, v2  }
0xc1: {  	v4 =	vld [tilespmem:s15+$0x1B80];
	_ =	sdelay $0x4  }
0xc2: {  	v31 =	vand.u32 $0xFFFFFF80, v4  }
0xc3: {  	v4 =	vand.u32 $0x7F, v4;
	v5 =	vadd.s32 v3, v31  }
0xc4: {  	v4 =	vor.u32 v4, v5;
	_ =	sdelay $0x4  }
0xc5: {  	[tilespmem:v4+s11+$0x0] =	vst.idx.add.f32.msk $0xffff, v2  }
0xc6: {  	v4 =	vld [tilespmem:s15+$0x2000];
	_ =	sdelay $0x4  }
0xc7: {  	v32 =	vand.u32 $0xFFFFFF80, v4  }
0xc8: {  	v4 =	vand.u32 $0x7F, v4;
	v5 =	vadd.s32 v3, v32  }
0xc9: {  	v4 =	vor.u32 v4, v5;
	_ =	sdelay $0x4  }
0xca: {  	[tilespmem:v4+s11+$0x0] =	vst.idx.add.f32.msk $0xffff, v2  }
0xcb: {  	v4 =	vld [tilespmem:s15+$0x2080];
	_ =	sdelay $0x4  }
0xcc: {  	v33 =	vand.u32 $0xFFFFFF80, v4  }
0xcd: {  	v4 =	vand.u32 $0x7F, v4;
	v5 =	vadd.s32 v3, v33  }
0xce: {  	v4 =	vor.u32 v4, v5;
	_ =	sdelay $0x4  }
0xcf: {  	[tilespmem:v4+s11+$0x0] =	vst.idx.add.f32.msk $0xffff, v2  }
0xd0: {  	v4 =	vld [tilespmem:s15+$0x2100];
	_ =	sdelay $0x4  }
0xd1: {  	v34 =	vand.u32 $0xFFFFFF80, v4  }
0xd2: {  	v4 =	vand.u32 $0x7F, v4;
	v5 =	vadd.s32 v3, v34  }
0xd3: {  	v4 =	vor.u32 v4, v5;
	_ =	sdelay $0x4  }
0xd4: {  	[tilespmem:v4+s11+$0x0] =	vst.idx.add.f32.msk $0xffff, v2  }
0xd5: {  	v4 =	vld [tilespmem:s15+$0x2180];
	_ =	sdelay $0x4  }
0xd6: {  	v35 =	vand.u32 $0xFFFFFF80, v4  }
0xd7: {  	v4 =	vand.u32 $0x7F, v4;
	v5 =	vadd.s32 v3, v35  }
0xd8: {  	v4 =	vor.u32 v4, v5;
	_ =	sdelay $0x4  }
0xd9: {  	[tilespmem:v4+s11+$0x0] =	vst.idx.add.f32.msk $0xffff, v2  }
0xda: {  	v4 =	vld [tilespmem:s15+$0x2200];
	_ =	sdelay $0x4  }
0xdb: {  	v36 =	vand.u32 $0xFFFFFF80, v4  }
0xdc: {  	v4 =	vand.u32 $0x7F, v4;
	v5 =	vadd.s32 v3, v36  }
0xdd: {  	v4 =	vor.u32 v4, v5;
	_ =	sdelay $0x4  }
0xde: {  	[tilespmem:v4+s11+$0x0] =	vst.idx.add.f32.msk $0xffff, v2  }
0xdf: {  	v4 =	vld [tilespmem:s15+$0x2280];
	_ =	sdelay $0x4  }
0xe0: {  	v37 =	vand.u32 $0xFFFFFF80, v4  }
0xe1: {  	v4 =	vand.u32 $0x7F, v4;
	v5 =	vadd.s32 v3, v37  }
0xe2: {  	v4 =	vor.u32 v4, v5;
	_ =	sdelay $0x4  }
0xe3: {  	[tilespmem:v4+s11+$0x0] =	vst.idx.add.f32.msk $0xffff, v2  }
0xe4: {  	v4 =	vld [tilespmem:s15+$0x2300];
	_ =	sdelay $0x4  }
0xe5: {  	v38 =	vand.u32 $0xFFFFFF80, v4  }
0xe6: {  	v4 =	vand.u32 $0x7F, v4;
	v5 =	vadd.s32 v3, v38  }
0xe7: {  	v4 =	vor.u32 v4, v5;
	_ =	sdelay $0x4  }
0xe8: {  	[tilespmem:v4+s11+$0x0] =	vst.idx.add.f32.msk $0xffff, v2  }
0xe9: {  	v4 =	vld [tilespmem:s15+$0x2380];
	_ =	sdelay $0x4  }
0xea: {  	v39 =	vand.u32 $0xFFFFFF80, v4  }
0xeb: {  	v4 =	vand.u32 $0x7F, v4;
	v5 =	vadd.s32 v3, v39  }
0xec: {  	v4 =	vor.u32 v4, v5;
	_ =	sdelay $0x4  }
0xed: {  	[tilespmem:v4+s11+$0x0] =	vst.idx.add.f32.msk $0xffff, v2  }
0xee: {  	v4 =	vld [tilespmem:s15+$0x2800];
	_ =	sdelay $0x4  }
0xef: {  	v40 =	vand.u32 $0xFFFFFF80, v4  }
0xf0: {  	v4 =	vand.u32 $0x7F, v4;
	v5 =	vadd.s32 v3, v40  }
0xf1: {  	v4 =	vor.u32 v4, v5;
	_ =	sdelay $0x4  }
0xf2: {  	[tilespmem:v4+s11+$0x0] =	vst.idx.add.f32.msk $0xffff, v2  }
0xf3: {  	v4 =	vld [tilespmem:s15+$0x2880];
	_ =	sdelay $0x4  }
0xf4: {  	v41 =	vand.u32 $0xFFFFFF80, v4  }
0xf5: {  	v4 =	vand.u32 $0x7F, v4;
	v5 =	vadd.s32 v3, v41  }
0xf6: {  	v4 =	vor.u32 v4, v5;
	_ =	sdelay $0x4  }
0xf7: {  	[tilespmem:v4+s11+$0x0] =	vst.idx.add.f32.msk $0xffff, v2  }
0xf8: {  	v4 =	vld [tilespmem:s15+$0x2900];
	_ =	sdelay $0x4  }
0xf9: {  	v42 =	vand.u32 $0xFFFFFF80, v4  }
0xfa: {  	v4 =	vand.u32 $0x7F, v4;
	v5 =	vadd.s32 v3, v42  }
0xfb: {  	v4 =	vor.u32 v4, v5;
	_ =	sdelay $0x4  }
0xfc: {  	[tilespmem:v4+s11+$0x0] =	vst.idx.add.f32.msk $0xffff, v2  }
0xfd: {  	v4 =	vld [tilespmem:s15+$0x2980];
	_ =	sdelay $0x4  }
0xfe: {  	v43 =	vand.u32 $0xFFFFFF80, v4  }
0xff: {  	v4 =	vand.u32 $0x7F, v4;
	v5 =	vadd.s32 v3, v43  }
0x100: {  	v4 =	vor.u32 v4, v5;
	_ =	sdelay $0x4  }
0x101: {  	[tilespmem:v4+s11+$0x0] =	vst.idx.add.f32.msk $0xffff, v2  }
0x102: {  	v4 =	vld [tilespmem:s15+$0x2A00];
	_ =	sdelay $0x4  }
0x103: {  	v44 =	vand.u32 $0xFFFFFF80, v4  }
0x104: {  	v4 =	vand.u32 $0x7F, v4;
	v5 =	vadd.s32 v3, v44  }
0x105: {  	v4 =	vor.u32 v4, v5;
	_ =	sdelay $0x4  }
0x106: {  	[tilespmem:v4+s11+$0x0] =	vst.idx.add.f32.msk $0xffff, v2  }
0x107: {  	v4 =	vld [tilespmem:s15+$0x2A80];
	_ =	sdelay $0x4  }
0x108: {  	v45 =	vand.u32 $0xFFFFFF80, v4  }
0x109: {  	v4 =	vand.u32 $0x7F, v4;
	v5 =	vadd.s32 v3, v45  }
0x10a: {  	v4 =	vor.u32 v4, v5;
	_ =	sdelay $0x4  }
0x10b: {  	[tilespmem:v4+s11+$0x0] =	vst.idx.add.f32.msk $0xffff, v2  }
0x10c: {  	v4 =	vld [tilespmem:s15+$0x2B00];
	_ =	sdelay $0x4  }
0x10d: {  	v46 =	vand.u32 $0xFFFFFF80, v4  }
0x10e: {  	v4 =	vand.u32 $0x7F, v4;
	v5 =	vadd.s32 v3, v46  }
0x10f: {  	v4 =	vor.u32 v4, v5;
	_ =	sdelay $0x4  }
0x110: {  	[tilespmem:v4+s11+$0x0] =	vst.idx.add.f32.msk $0xffff, v2  }
0x111: {  	v4 =	vld [tilespmem:s15+$0x2B80];
	_ =	sdelay $0x4  }
0x112: {  	v47 =	vand.u32 $0xFFFFFF80, v4  }
0x113: {  	v4 =	vand.u32 $0x7F, v4;
	v5 =	vadd.s32 v3, v47  }
0x114: {  	v4 =	vor.u32 v4, v5;
	_ =	sdelay $0x4  }
0x115: {  	[tilespmem:v4+s11+$0x0] =	vst.idx.add.f32.msk $0xffff, v2  }
0x116: {  	v4 =	vld [tilespmem:s15+$0x3000];
	_ =	sdelay $0x4  }
0x117: {  	v48 =	vand.u32 $0xFFFFFF80, v4  }
0x118: {  	v4 =	vand.u32 $0x7F, v4;
	v5 =	vadd.s32 v3, v48  }
0x119: {  	v4 =	vor.u32 v4, v5;
	_ =	sdelay $0x4  }
0x11a: {  	[tilespmem:v4+s11+$0x0] =	vst.idx.add.f32.msk $0xffff, v2  }
0x11b: {  	v4 =	vld [tilespmem:s15+$0x3080];
	_ =	sdelay $0x4  }
0x11c: {  	v49 =	vand.u32 $0xFFFFFF80, v4  }
0x11d: {  	v4 =	vand.u32 $0x7F, v4;
	v5 =	vadd.s32 v3, v49  }
0x11e: {  	v4 =	vor.u32 v4, v5;
	_ =	sdelay $0x4  }
0x11f: {  	[tilespmem:v4+s11+$0x0] =	vst.idx.add.f32.msk $0xffff, v2  }
0x120: {  	v4 =	vld [tilespmem:s15+$0x3100];
	_ =	sdelay $0x4  }
0x121: {  	v50 =	vand.u32 $0xFFFFFF80, v4  }
0x122: {  	v4 =	vand.u32 $0x7F, v4;
	v5 =	vadd.s32 v3, v50  }
0x123: {  	v4 =	vor.u32 v4, v5;
	_ =	sdelay $0x4  }
0x124: {  	[tilespmem:v4+s11+$0x0] =	vst.idx.add.f32.msk $0xffff, v2  }
0x125: {  	v4 =	vld [tilespmem:s15+$0x3180];
	_ =	sdelay $0x4  }
0x126: {  	v51 =	vand.u32 $0xFFFFFF80, v4  }
0x127: {  	v4 =	vand.u32 $0x7F, v4;
	v5 =	vadd.s32 v3, v51  }
0x128: {  	v4 =	vor.u32 v4, v5;
	_ =	sdelay $0x4  }
0x129: {  	[tilespmem:v4+s11+$0x0] =	vst.idx.add.f32.msk $0xffff, v2  }
0x12a: {  	v4 =	vld [tilespmem:s15+$0x3200];
	_ =	sdelay $0x4  }
0x12b: {  	v52 =	vand.u32 $0xFFFFFF80, v4  }
0x12c: {  	v4 =	vand.u32 $0x7F, v4;
	v5 =	vadd.s32 v3, v52  }
0x12d: {  	v4 =	vor.u32 v4, v5;
	_ =	sdelay $0x4  }
0x12e: {  	[tilespmem:v4+s11+$0x0] =	vst.idx.add.f32.msk $0xffff, v2  }
0x12f: {  	v4 =	vld [tilespmem:s15+$0x3280];
	_ =	sdelay $0x4  }
0x130: {  	v53 =	vand.u32 $0xFFFFFF80, v4  }
0x131: {  	v4 =	vand.u32 $0x7F, v4;
	v5 =	vadd.s32 v3, v53  }
0x132: {  	v4 =	vor.u32 v4, v5;
	_ =	sdelay $0x4  }
0x133: {  	[tilespmem:v4+s11+$0x0] =	vst.idx.add.f32.msk $0xffff, v2  }
0x134: {  	v4 =	vld [tilespmem:s15+$0x3300];
	_ =	sdelay $0x4  }
0x135: {  	v54 =	vand.u32 $0xFFFFFF80, v4  }
0x136: {  	v4 =	vand.u32 $0x7F, v4;
	v5 =	vadd.s32 v3, v54  }
0x137: {  	v4 =	vor.u32 v4, v5;
	_ =	sdelay $0x4  }
0x138: {  	[tilespmem:v4+s11+$0x0] =	vst.idx.add.f32.msk $0xffff, v2  }
0x139: {  	v4 =	vld [tilespmem:s15+$0x3380];
	_ =	sdelay $0x4  }
0x13a: {  	v55 =	vand.u32 $0xFFFFFF80, v4  }
0x13b: {  	v4 =	vand.u32 $0x7F, v4;
	v5 =	vadd.s32 v3, v55  }
0x13c: {  	v4 =	vor.u32 v4, v5;
	_ =	sdelay $0x4  }
0x13d: {  	[tilespmem:v4+s11+$0x0] =	vst.idx.add.f32.msk $0xffff, v2  }
0x13e: {  	v4 =	vld [tilespmem:s15+$0x3800];
	_ =	sdelay $0x4  }
0x13f: {  	v56 =	vand.u32 $0xFFFFFF80, v4  }
0x140: {  	v4 =	vand.u32 $0x7F, v4;
	v5 =	vadd.s32 v3, v56  }
0x141: {  	v4 =	vor.u32 v4, v5;
	_ =	sdelay $0x4  }
0x142: {  	[tilespmem:v4+s11+$0x0] =	vst.idx.add.f32.msk $0xffff, v2  }
0x143: {  	v4 =	vld [tilespmem:s15+$0x3880];
	_ =	sdelay $0x4  }
0x144: {  	v57 =	vand.u32 $0xFFFFFF80, v4  }
0x145: {  	v4 =	vand.u32 $0x7F, v4;
	v5 =	vadd.s32 v3, v57  }
0x146: {  	v4 =	vor.u32 v4, v5;
	_ =	sdelay $0x4  }
0x147: {  	[tilespmem:v4+s11+$0x0] =	vst.idx.add.f32.msk $0xffff, v2  }
0x148: {  	v4 =	vld [tilespmem:s15+$0x3900];
	_ =	sdelay $0x4  }
0x149: {  	v58 =	vand.u32 $0xFFFFFF80, v4  }
0x14a: {  	v4 =	vand.u32 $0x7F, v4;
	v5 =	vadd.s32 v3, v58  }
0x14b: {  	v4 =	vor.u32 v4, v5;
	_ =	sdelay $0x4  }
0x14c: {  	[tilespmem:v4+s11+$0x0] =	vst.idx.add.f32.msk $0xffff, v2  }
0x14d: {  	v4 =	vld [tilespmem:s15+$0x3980];
	_ =	sdelay $0x4  }
0x14e: {  	v59 =	vand.u32 $0xFFFFFF80, v4  }
0x14f: {  	v4 =	vand.u32 $0x7F, v4;
	v5 =	vadd.s32 v3, v59  }
0x150: {  	v4 =	vor.u32 v4, v5;
	_ =	sdelay $0x4  }
0x151: {  	[tilespmem:v4+s11+$0x0] =	vst.idx.add.f32.msk $0xffff, v2  }
0x152: {  	v4 =	vld [tilespmem:s15+$0x3A00];
	_ =	sdelay $0x4  }
0x153: {  	v60 =	vand.u32 $0xFFFFFF80, v4  }
0x154: {  	v4 =	vand.u32 $0x7F, v4;
	v5 =	vadd.s32 v3, v60  }
0x155: {  	v4 =	vor.u32 v4, v5;
	_ =	sdelay $0x4  }
0x156: {  	[tilespmem:v4+s11+$0x0] =	vst.idx.add.f32.msk $0xffff, v2  }
0x157: {  	v4 =	vld [tilespmem:s15+$0x3A80];
	_ =	sdelay $0x4  }
0x158: {  	v61 =	vand.u32 $0xFFFFFF80, v4  }
0x159: {  	v4 =	vand.u32 $0x7F, v4;
	v5 =	vadd.s32 v3, v61  }
0x15a: {  	v4 =	vor.u32 v4, v5;
	_ =	sdelay $0x4  }
0x15b: {  	[tilespmem:v4+s11+$0x0] =	vst.idx.add.f32.msk $0xffff, v2  }
0x15c: {  	v4 =	vld [tilespmem:s15+$0x3B00];
	_ =	sdelay $0x4  }
0x15d: {  	v62 =	vand.u32 $0xFFFFFF80, v4  }
0x15e: {  	v4 =	vand.u32 $0x7F, v4;
	v5 =	vadd.s32 v3, v62  }
0x15f: {  	v4 =	vor.u32 v4, v5;
	_ =	sdelay $0x4  }
0x160: {  	[tilespmem:v4+s11+$0x0] =	vst.idx.add.f32.msk $0xffff, v2  }
0x161: {  	v4 =	vld [tilespmem:s15+$0x3B80];
	_ =	sdelay $0x4  }
0x162: {  	v63 =	vand.u32 $0xFFFFFF80, v4  }
0x163: {  	v4 =	vand.u32 $0x7F, v4;
	v3 =	vadd.s32 v3, v63  }
0x164: {  	p1 =	sne.s32 s14, $0xF0;
	v3 =	vor.u32 v4, v3  }
.Ltmp1:
0x165: {  	_ = 	snop;
	(pc) =	sbr.rel @p1 .LBB2_4-.Ltmp1, $2  }
0x166: {  	_ =	sdelay $0x2  }
0x167: {  	s13 =	sadd.s32 $0x80, s13;
	s14 =	sadd.s32 $0x10, s14;
	[tilespmem:v3+s11+$0x0] =	vst.idx.add.f32.msk $0xffff, v2  }
0x168: {  	[hbm4b:s6+s4] =	stream.linear.scatter [tilespmem:s11], [sflag:$0x1], $0x8000, $0x38;
	[tilespmem:$0xC100] =	vst v63  }
0x169: {  	_ =	swait.ge [sflag:s10], $0x8000  }
0x16a: {  	[sflag:s10] =	ssyncset.done $0x0  }
0x16b: {  	s13 =	simm.s32 @!p0 $0x0;
	s14 =	simm.s32 @!p0 $0xC000;
	[sflag:s10] =	ssyncadd.s32 $0xFFFF8000  }
0x16c: {  	[tilespmem:s14], [sflag:$0x1] =	stream.linear.gather @!p0 [hbm4b:s1+s13], $0x80, $0x38;
	[tilespmem:$0xC100] =	vst v63  }
0x16d: {  	s14 =	simm.s32 @!p0 $0x1  }
0x16e: {  	_ =	swait.ge @!p0 [sflag:s14], $0x80  }
0x16f: {  	[sflag:s14] =	ssyncset.done @!p0 $0x0  }
0x170: {  	v3 =	vimm.f32 @!p0 $0.0e+00;
	[sflag:s14] =	ssyncadd.s32 @!p0 $0xFFFFFF80  }
0x171: {  	[tilespmem:$0xC080] =	vst @!p0 v3;
	v4 =	vld @!p0 [tilespmem:$0xC000]  }
0x172: {  	[tilespmem:$0xC090] =	vst @!p0 v3  }
0x173: {  	[tilespmem:$0xC0A0] =	vst @!p0 v3  }
0x174: {  	[tilespmem:$0xC0B0] =	vst @!p0 v3  }
0x175: {  	[tilespmem:$0xC0C0] =	vst @!p0 v3  }
0x176: {  	[tilespmem:$0xC0D0] =	vst @!p0 v3  }
0x177: {  	[tilespmem:$0xC0E0] =	vst @!p0 v3  }
0x178: {  	s15 =	simm.s32 @!p0 $0xC080;
	[tilespmem:$0xC0F0] =	vst @!p0 v3;
	v3 =	vimm.f32 @!p0 $1.000000000e+00  }
0x179: {  	[tilespmem:v4+s15+$0x0] =	vst.idx.add.f32.msk @!p0 $0xffff, v3  }
0x17a: {  	v4 =	vld @!p0 [tilespmem:$0xC010];
	_ =	sdelay $0x7  }
0x17b: {  	[tilespmem:v4+s15+$0x0] =	vst.idx.add.f32.msk @!p0 $0xffff, v3  }
0x17c: {  	v4 =	vld @!p0 [tilespmem:$0xC020];
	_ =	sdelay $0x7  }
0x17d: {  	[tilespmem:v4+s15+$0x0] =	vst.idx.add.f32.msk @!p0 $0xffff, v3  }
0x17e: {  	v4 =	vld @!p0 [tilespmem:$0xC030];
	_ =	sdelay $0x5  }
0x17f: {  	s12 =	sadd.s32 $0x1, s12  }
0x180: {  	p1 =	sne.s32 s12, s7  }
.Ltmp2:
0x181: {  	[tilespmem:v4+s15+$0x0] =	vst.idx.add.f32.msk @!p0 $0xffff, v3;
	(pc) =	sbr.rel @p1 .LBB2_1-.Ltmp2, $4  }
0x182: {  	[hbm4b:s3+s13] =	stream.linear.scatter @!p0 [tilespmem:s15], [sflag:$0x1], $0x80, $0x38;
	[tilespmem:$0xC100] =	vst v63  }
0x183: {  	_ =	swait.ge @!p0 [sflag:s14], $0x80  }
0x184: {  	[sflag:s14] =	ssyncset.done @!p0 $0x0  }
0x185: {  	[sflag:s14] =	ssyncadd.s32 @!p0 $0xFFFFFF80  }
0x186: {  	_ =	sfence.sel $0x180000  }
0x187: {  	[bflag:$0x0] =	sbarrier.arrive $0xFFFF  }
0x188: {  	p0 =	sne.s32 s2, $0x0;
	_ =	strace $0x90000047  }
0x189: {  	s0 =	sadd.s32 @!p0 $0x100000, s0;
	[bflag:$0x2] =	sbarrier.arrive $0xFFFF  }
0x18a: {  	[sflag:s0] =	ssyncadd.tile.s32 @!p0 $0x1;
	_ =	shalt  }
.Lfunc_end2:
_tile_overlayer_lowered:
.L_overlay_start_2:
0x18b: {  	(tag) =	ssettag $0x2  }
0x18c: {  	s0 =	rddreg [dreg:$0x0];
	s2 =	stileid.u32  }
0x18d: {  	s1 =	rddreg [dreg:$0x1];
	p0 =	sne.s32 s2, $0x0  }
0x18e: {  	s3 =	rddreg [dreg:$0x2];
	[bflag:$0x3] =	sbarrier.arrive $0xFFFF;
	s2 =	simm.s32 @!p0 $0x1C01  }
0x18f: {  	[timem:s3], [sflag:s2] =	dma.local @!p0 [hbm:s0], s1  }
0x190: {  	s0 =	simm.s32 @!p0 $0x1  }
0x191: {  	_ =	swait.ge @!p0 [sflag:s0], s1  }
0x192: {  	s1 =	ssub.s32 @!p0 $0x0, s1;
	[sflag:s0] =	ssyncset.done @!p0 $0x0  }
0x193: {  	[sflag:s0] =	ssyncadd.s32 @!p0 s1  }
0x194: {  	[bflag:$0x3] =	sbarrier.arrive $0xFFFF  }
0x195: {  	_ =	shalt  }

</sc_bundles>
